<compile_context>
chip_gen: v7x
topology: tpu7x:2x2x1
jax: 0.10.2.dev20260603
libtpu: 0.0.44.dev20260713+nightly
codegen_flags: <defaults>
</compile_context>

<pallas_src>
import functools

import jax
import jax.numpy as jnp
from jax import lax
from jax.experimental import pallas as pl
from jax.experimental.pallas import tpu as pltpu
from jax.experimental.pallas import tpu_sc as plsc

N = 10000
E = 320000
D_IN = 128
D_HID = 16
D_OUT = 2

NC = 2
NS = 16
L = 16
NW = NC * NS
CHUNK = 125
CPW = 80
ROWS_PT = N // NS

_mesh = plsc.VectorSubcoreMesh(core_axis_name="c", subcore_axis_name="s")
_sc_params = pltpu.CompilerParams(use_tc_tiling_on_sc=False)



@functools.partial(
    pl.kernel,
    out_type=jax.ShapeDtypeStruct((NC, N, L), jnp.float32),
    mesh=_mesh,
    compiler_params=_sc_params,
    scratch_types=[
        pltpu.VMEM((CPW, CHUNK), jnp.int32),
        pltpu.VMEM((CHUNK, L), jnp.float32),
        pltpu.VMEM((ROWS_PT, L), jnp.float32),
        pltpu.VMEM_SHARED((N, L), jnp.float32),
    ],
)
def _sc_degree(dstR, out, dst_v, ones_v, zb, acc):
    cid = lax.axis_index("c")
    sid = lax.axis_index("s")
    wid = cid * NS + sid

    def fill(i, _):
        zb[i, :] = jnp.zeros((L,), jnp.float32)
        return 0

    lax.fori_loop(0, ROWS_PT, fill, 0, unroll=False)

    def fill1(i, _):
        ones_v[i, :] = jnp.ones((L,), jnp.float32)
        return 0

    lax.fori_loop(0, CHUNK, fill1, 0, unroll=False)
    pltpu.sync_copy(zb, acc.at[pl.ds(sid * ROWS_PT, ROWS_PT)])
    pltpu.sync_copy(dstR.at[wid], dst_v)
    plsc.subcore_barrier()

    def step(j, _):
        pltpu.sync_copy(ones_v, acc.at[dst_v.at[j]], add=True)
        return 0

    lax.fori_loop(0, CPW, step, 0, unroll=False)
    plsc.subcore_barrier()
    pltpu.sync_copy(acc.at[pl.ds(sid * ROWS_PT, ROWS_PT)],
                    out.at[cid, pl.ds(sid * ROWS_PT, ROWS_PT)])



@functools.partial(
    pl.kernel,
    out_type=jax.ShapeDtypeStruct((NC, N, L), jnp.float32),
    mesh=_mesh,
    compiler_params=_sc_params,
    scratch_types=[
        pltpu.VMEM((CPW, CHUNK), jnp.int32),
        pltpu.VMEM((CPW, CHUNK), jnp.int32),
        pltpu.VMEM((CHUNK, L), jnp.float32),
        pltpu.VMEM((CHUNK, L), jnp.float32),
        pltpu.VMEM((CHUNK, L), jnp.float32),
        pltpu.VMEM((CHUNK, L), jnp.float32),
        pltpu.VMEM((ROWS_PT, L), jnp.float32),
        pltpu.SemaphoreType.DMA,
        pltpu.SemaphoreType.DMA,
        pltpu.SemaphoreType.DMA,
        pltpu.SemaphoreType.DMA,
        pltpu.SemaphoreType.DMA,
        pltpu.SemaphoreType.DMA,
        pltpu.SemaphoreType.DMA,
        pltpu.SemaphoreType.DMA,
        pltpu.VMEM_SHARED((N, L), jnp.float32),
    ],
)
def _sc_spmm(tbl, srcR, dstR, out, src_v, dst_v, r0, r1, r2, r3, zb,
             s0, s1, s2, s3, t0, t1, t2, t3, acc):
    cid = lax.axis_index("c")
    sid = lax.axis_index("s")
    wid = cid * NS + sid

    def fill(i, _):
        zb[i, :] = jnp.zeros((L,), jnp.float32)
        return 0

    lax.fori_loop(0, ROWS_PT, fill, 0, unroll=False)
    pltpu.sync_copy(zb, acc.at[pl.ds(sid * ROWS_PT, ROWS_PT)])
    pltpu.sync_copy(srcR.at[wid], src_v)
    pltpu.sync_copy(dstR.at[wid], dst_v)
    plsc.subcore_barrier()

    rings = (r0, r1, r2, r3)
    gsems = (s0, s1, s2, s3)
    ssems = (t0, t1, t2, t3)
    for b in range(3):
        pltpu.async_copy(tbl.at[src_v.at[b]], rings[b], gsems[b])

    def group(i, _):
        for b in range(4):
            j = 4 * i + b
            nb = (b + 3) % 4
            pltpu.make_async_copy(tbl.at[src_v.at[j]], rings[b], gsems[b]).wait()

            @pl.when(j >= 1)
            def _():
                pltpu.make_async_copy(
                    rings[nb], acc.at[dst_v.at[j - 1]], ssems[nb]).wait()

            pltpu.async_copy(rings[b], acc.at[dst_v.at[j]], ssems[b], add=True)

            @pl.when(j + 3 < CPW)
            def _():
                pltpu.async_copy(tbl.at[src_v.at[j + 3]], rings[nb], gsems[nb])
        return 0

    lax.fori_loop(0, CPW // 4, group, 0, unroll=False)
    pltpu.make_async_copy(rings[(CPW - 1) % 4], acc.at[dst_v.at[CPW - 1]],
                          ssems[(CPW - 1) % 4]).wait()
    plsc.subcore_barrier()
    pltpu.sync_copy(acc.at[pl.ds(sid * ROWS_PT, ROWS_PT)],
                    out.at[cid, pl.ds(sid * ROWS_PT, ROWS_PT)])



def _tc_h1_body(x_ref, w_ref, d_ref, h_ref, dv_ref):
    deg = d_ref[0] + d_ref[1] + 1.0
    dinv = lax.rsqrt(deg)
    h = jnp.dot(x_ref[...], w_ref[...], preferred_element_type=jnp.float32)
    h_ref[...] = h * dinv
    dv_ref[...] = dinv


def _tc_mid_body(s_ref, h_ref, dv_ref, b_ref, g_ref):
    dinv = dv_ref[...]
    seg = s_ref[0] + s_ref[1] + h_ref[...]
    g_ref[...] = jnp.maximum(dinv * seg + b_ref[...], 0.0) * dinv


def _tc_out_body(a_ref, g_ref, dv_ref, w_ref, b_ref, o_ref):
    agg = a_ref[0] + a_ref[1] + g_ref[...]
    o = jnp.dot(agg, w_ref[...], preferred_element_type=jnp.float32)
    o_ref[...] = dv_ref[:, :D_OUT] * o + b_ref[...]


_tc_h1 = pl.pallas_call(
    _tc_h1_body,
    out_shape=(
        jax.ShapeDtypeStruct((N, L), jnp.float32),
        jax.ShapeDtypeStruct((N, L), jnp.float32),
    ),
)

_tc_mid = pl.pallas_call(
    _tc_mid_body,
    out_shape=jax.ShapeDtypeStruct((N, L), jnp.float32),
)

_tc_out = pl.pallas_call(
    _tc_out_body,
    out_shape=jax.ShapeDtypeStruct((N, D_OUT), jnp.float32),
)



def kernel(x, edge_index, W1, b1, W2, b2):
    srcR = edge_index[0].reshape(NW, CPW, CHUNK)
    dstR = edge_index[1].reshape(NW, CPW, CHUNK)

    degp = _sc_degree(dstR)
    h1, dinv16 = _tc_h1(x, W1, degp)
    seg1 = _sc_spmm(h1, srcR, dstR)
    g = _tc_mid(seg1, h1, dinv16, b1.reshape(1, L))
    agg = _sc_spmm(g, srcR, dstR)
    return _tc_out(agg, g, dinv16, W2, b2.reshape(1, D_OUT))

# --- scband reference (transcript-rebuilt; emitter-appended) ---
"""Pipeline reference for scband-gnn-28140625724060 (READ-ONLY COPY).

The authoritative reference and input builder live on the scoring server;
editing this copy changes nothing except your own understanding.
"""

import jax, jax.numpy as jnp
import numpy as np

N = 10000
E = 320000
D_IN = 128
D_HID = 16
D_OUT = 2


def setup_inputs(seed: int = 0) -> dict:
    key = jax.random.key(seed)
    k1, k2, k3, k4, k5, k6 = jax.random.split(key, 6)
    x = jax.random.normal(k1, (N, D_IN), dtype=jnp.float32)
    edge_index = jax.random.randint(k2, (2, E), 0, N, dtype=jnp.int32)
    W1 = jax.random.normal(k3, (D_IN, D_HID), dtype=jnp.float32) * (1.0 / np.sqrt(D_IN))
    b1 = jnp.zeros((D_HID,), dtype=jnp.float32)
    W2 = jax.random.normal(k4, (D_HID, D_OUT), dtype=jnp.float32) * (1.0 / np.sqrt(D_HID))
    b2 = jnp.zeros((D_OUT,), dtype=jnp.float32)
    return {"x": x, "edge_index": edge_index, "W1": W1, "b1": b1, "W2": W2, "b2": b2}


def _gcn_layer(x, W, b, src, dst, norm):
    h = x @ W
    msg = h[src] * norm[:, None]
    agg = jax.ops.segment_sum(msg, dst, num_segments=N)
    return agg + b


def reference(x, edge_index, W1, b1, W2, b2):
    src = edge_index[0]
    dst = edge_index[1]
    loops = jnp.arange(N, dtype=src.dtype)
    src = jnp.concatenate([src, loops])
    dst = jnp.concatenate([dst, loops])
    deg = jax.ops.segment_sum(jnp.ones_like(dst, dtype=jnp.float32), dst, num_segments=N)
    deg_inv_sqrt = jnp.where(deg > 0, jax.lax.rsqrt(jnp.maximum(deg, 1.0)), 0.0)
    norm = deg_inv_sqrt[src] * deg_inv_sqrt[dst]
    h = _gcn_layer(x, W1, b1, src, dst, norm)
    h = jax.nn.relu(h)
    out = _gcn_layer(h, W2, b2, src, dst, norm)
    return out

if __name__ == "__main__":
    import jax
    _d = setup_inputs()
    print(jax.jit(kernel)(*tuple(_d.values())))

</pallas_src>

<mosaic_0001>
#map = affine_map<(d0, d1) -> (0, 0)>
#map1 = affine_map<(d0, d1) -> (0, 0, 0)>
module attributes {stable_mosaic.version = 14 : i64} {
  func.func @_sc_spmm(%arg0: i32, %arg1: i32, %arg2: memref<10000x16xf32, #tpu.memory_space<hbm>>, %arg3: memref<32x80x125xi32, #tpu.memory_space<hbm>>, %arg4: memref<32x80x125xi32, #tpu.memory_space<hbm>>, %arg5: memref<2x10000x16xf32, #tpu.memory_space<hbm>>, %arg6: memref<80x125xi32, #tpu.memory_space<vmem>>, %arg7: memref<80x125xi32, #tpu.memory_space<vmem>>, %arg8: memref<125x16xf32, #tpu.memory_space<vmem>>, %arg9: memref<125x16xf32, #tpu.memory_space<vmem>>, %arg10: memref<125x16xf32, #tpu.memory_space<vmem>>, %arg11: memref<125x16xf32, #tpu.memory_space<vmem>>, %arg12: memref<625x16xf32, #tpu.memory_space<vmem>>, %arg13: memref<!tpu.dma_semaphore, #tpu.memory_space<semaphore_mem>>, %arg14: memref<!tpu.dma_semaphore, #tpu.memory_space<semaphore_mem>>, %arg15: memref<!tpu.dma_semaphore, #tpu.memory_space<semaphore_mem>>, %arg16: memref<!tpu.dma_semaphore, #tpu.memory_space<semaphore_mem>>, %arg17: memref<!tpu.dma_semaphore, #tpu.memory_space<semaphore_mem>>, %arg18: memref<!tpu.dma_semaphore, #tpu.memory_space<semaphore_mem>>, %arg19: memref<!tpu.dma_semaphore, #tpu.memory_space<semaphore_mem>>, %arg20: memref<!tpu.dma_semaphore, #tpu.memory_space<semaphore_mem>>, %arg21: memref<10000x16xf32, #tpu.memory_space<vmem_shared>>) attributes {dimension_semantics = [#tpu.dimension_semantics<core_parallel>, #tpu.dimension_semantics<subcore_parallel>], iteration_bounds = array<i64: 2, 16>, scalar_prefetch = 0 : i64, scratch_operands = 16 : i64, tpu.core_type = #tpu.core_type<sc_vector_subcore>, window_params = [{transform_indices = #map}, {transform_indices = #map1}, {transform_indices = #map1}, {transform_indices = #map1}]} {
    %mul3A = arith.constant 16 : i32
    %mul3A_0 = arith.muli %arg0, %mul3A : i32
    %add3A = arith.addi %mul3A_0, %arg1 : i32
    %scan3A = arith.constant 0 : i32
    %scan3A_1 = arith.constant 0 : i32
    %scan3A_2 = arith.constant 625 : i32
    %scan3A_3 = arith.addi %scan3A_1, %scan3A_2 : i32
    %scan3A_4 = arith.constant 1 : i32
    %scan3A_5 = scf.for %scan3A_47 = %scan3A_1 to %scan3A_3 step %scan3A_4 iter_args(%scan3A_48 = %scan3A) -> (i32)  : i32 {
      %broadcast_in_dim3A = arith.constant 0.000000e+00 : f32
      %broadcast_in_dim3A_49 = vector.broadcast %broadcast_in_dim3A : f32 to vector<16xf32>
      %swap3A = arith.index_cast %scan3A_47 : i32 to index
      %swap3A_50 = arith.constant 0 : index
      %swap3A_51 = tpu.vector_load %arg12[%swap3A, %swap3A_50] {strides = array<i32>} : memref<625x16xf32, #tpu.memory_space<vmem>>, vector<1x16xf32>,
      %swap3A_52 = vector.shape_cast %swap3A_51 : vector<1x16xf32> to vector<16xf32>
      %swap3A_53 = vector.shape_cast %broadcast_in_dim3A_49 : vector<16xf32> to vector<1x16xf32>
      tpu.vector_store %arg12[%swap3A, %swap3A_50], %swap3A_53 {strides = array<i32>} : memref<625x16xf32, #tpu.memory_space<vmem>>, vector<1x16xf32>,
      %scan3A_54 = arith.constant 0 : i32
      scf.yield %scan3A_54 : i32
    }
    %scan3A_6 = arith.constant 625 : i32
    %mul3A_7 = arith.constant 625 : i32
    %mul3A_8 = arith.muli %arg1, %mul3A_7 : i32
    "tpu.region"() ({
      %run_scoped3A = tpu.sem_alloc : memref<!tpu.dma_semaphore, #tpu.memory_space<semaphore_mem>>
      %dma_start3A_47 = arith.constant 0 : i32
      %dma_start3A_48 = tpu.memref_slice %arg21[%mul3A_8, %dma_start3A_47] : memref<10000x16xf32, #tpu.memory_space<vmem_shared>> -> memref<625x16xf32, #tpu.memory_space<vmem_shared>>
      %dma_start3A_49 = arith.constant 0 : i32
      %dma_start3A_50 = tpu.memref_slice %arg21[%mul3A_8, %dma_start3A_49] : memref<10000x16xf32, #tpu.memory_space<vmem_shared>> -> memref<625x16xf32, #tpu.memory_space<vmem_shared>>
      tpu.enqueue_dma source(%arg12 : memref<625x16xf32, #tpu.memory_space<vmem>>) target(%dma_start3A_50 : memref<625x16xf32, #tpu.memory_space<vmem_shared>>) target_semaphore(%run_scoped3A : memref<!tpu.dma_semaphore, #tpu.memory_space<semaphore_mem>>)
      %dma_wait3A_51 = arith.constant 0 : i32
      %dma_wait3A_52 = tpu.memref_slice %arg21[%mul3A_8, %dma_wait3A_51] : memref<10000x16xf32, #tpu.memory_space<vmem_shared>> -> memref<625x16xf32, #tpu.memory_space<vmem_shared>>
      %dma_wait3A_53 = arith.constant 0 : i32
      %dma_wait3A_54 = tpu.memref_slice %arg21[%mul3A_8, %dma_wait3A_53] : memref<10000x16xf32, #tpu.memory_space<vmem_shared>> -> memref<625x16xf32, #tpu.memory_space<vmem_shared>>
      tpu.wait_dma2 semaphore(%run_scoped3A : memref<!tpu.dma_semaphore, #tpu.memory_space<semaphore_mem>>) src(%arg12 : memref<625x16xf32, #tpu.memory_space<vmem>>) dst(%dma_wait3A_54 : memref<625x16xf32, #tpu.memory_space<vmem_shared>>)
      tpu.yield
    }) : () -> ()
    "tpu.region"() ({
      %run_scoped3A = tpu.sem_alloc : memref<!tpu.dma_semaphore, #tpu.memory_space<semaphore_mem>>
      %dma_start3A_47 = arith.constant 0 : i32
      %dma_start3A_48 = arith.constant 0 : i32
      %dma_start3A_49 = tpu.memref_slice %arg3[%add3A, %dma_start3A_47, %dma_start3A_48] : memref<32x80x125xi32, #tpu.memory_space<hbm>> -> memref<1x80x125xi32, #tpu.memory_space<hbm>>
      %dma_start3A_50 = tpu.memref_squeeze %dma_start3A_49 : memref<1x80x125xi32, #tpu.memory_space<hbm>> -> memref<80x125xi32, #tpu.memory_space<hbm>>
      %dma_start3A_51 = arith.constant 0 : i32
      %dma_start3A_52 = arith.constant 0 : i32
      %dma_start3A_53 = tpu.memref_slice %arg3[%add3A, %dma_start3A_51, %dma_start3A_52] : memref<32x80x125xi32, #tpu.memory_space<hbm>> -> memref<1x80x125xi32, #tpu.memory_space<hbm>>
      %dma_start3A_54 = tpu.memref_squeeze %dma_start3A_53 : memref<1x80x125xi32, #tpu.memory_space<hbm>> -> memref<80x125xi32, #tpu.memory_space<hbm>>
      tpu.enqueue_dma source(%dma_start3A_54 : memref<80x125xi32, #tpu.memory_space<hbm>>) target(%arg6 : memref<80x125xi32, #tpu.memory_space<vmem>>) target_semaphore(%run_scoped3A : memref<!tpu.dma_semaphore, #tpu.memory_space<semaphore_mem>>)
      %dma_wait3A_55 = arith.constant 0 : i32
      %dma_wait3A_56 = arith.constant 0 : i32
      %dma_wait3A_57 = tpu.memref_slice %arg3[%add3A, %dma_wait3A_55, %dma_wait3A_56] : memref<32x80x125xi32, #tpu.memory_space<hbm>> -> memref<1x80x125xi32, #tpu.memory_space<hbm>>
      %dma_wait3A_58 = tpu.memref_squeeze %dma_wait3A_57 : memref<1x80x125xi32, #tpu.memory_space<hbm>> -> memref<80x125xi32, #tpu.memory_space<hbm>>
      %dma_wait3A_59 = arith.constant 0 : i32
      %dma_wait3A_60 = arith.constant 0 : i32
      %dma_wait3A_61 = tpu.memref_slice %arg3[%add3A, %dma_wait3A_59, %dma_wait3A_60] : memref<32x80x125xi32, #tpu.memory_space<hbm>> -> memref<1x80x125xi32, #tpu.memory_space<hbm>>
      %dma_wait3A_62 = tpu.memref_squeeze %dma_wait3A_61 : memref<1x80x125xi32, #tpu.memory_space<hbm>> -> memref<80x125xi32, #tpu.memory_space<hbm>>
      tpu.wait_dma2 semaphore(%run_scoped3A : memref<!tpu.dma_semaphore, #tpu.memory_space<semaphore_mem>>) src(%dma_wait3A_62 : memref<80x125xi32, #tpu.memory_space<hbm>>) dst(%arg6 : memref<80x125xi32, #tpu.memory_space<vmem>>)
      tpu.yield
    }) : () -> ()
    "tpu.region"() ({
      %run_scoped3A = tpu.sem_alloc : memref<!tpu.dma_semaphore, #tpu.memory_space<semaphore_mem>>
      %dma_start3A_47 = arith.constant 0 : i32
      %dma_start3A_48 = arith.constant 0 : i32
      %dma_start3A_49 = tpu.memref_slice %arg4[%add3A, %dma_start3A_47, %dma_start3A_48] : memref<32x80x125xi32, #tpu.memory_space<hbm>> -> memref<1x80x125xi32, #tpu.memory_space<hbm>>
      %dma_start3A_50 = tpu.memref_squeeze %dma_start3A_49 : memref<1x80x125xi32, #tpu.memory_space<hbm>> -> memref<80x125xi32, #tpu.memory_space<hbm>>
      %dma_start3A_51 = arith.constant 0 : i32
      %dma_start3A_52 = arith.constant 0 : i32
      %dma_start3A_53 = tpu.memref_slice %arg4[%add3A, %dma_start3A_51, %dma_start3A_52] : memref<32x80x125xi32, #tpu.memory_space<hbm>> -> memref<1x80x125xi32, #tpu.memory_space<hbm>>
      %dma_start3A_54 = tpu.memref_squeeze %dma_start3A_53 : memref<1x80x125xi32, #tpu.memory_space<hbm>> -> memref<80x125xi32, #tpu.memory_space<hbm>>
      tpu.enqueue_dma source(%dma_start3A_54 : memref<80x125xi32, #tpu.memory_space<hbm>>) target(%arg7 : memref<80x125xi32, #tpu.memory_space<vmem>>) target_semaphore(%run_scoped3A : memref<!tpu.dma_semaphore, #tpu.memory_space<semaphore_mem>>)
      %dma_wait3A_55 = arith.constant 0 : i32
      %dma_wait3A_56 = arith.constant 0 : i32
      %dma_wait3A_57 = tpu.memref_slice %arg4[%add3A, %dma_wait3A_55, %dma_wait3A_56] : memref<32x80x125xi32, #tpu.memory_space<hbm>> -> memref<1x80x125xi32, #tpu.memory_space<hbm>>
      %dma_wait3A_58 = tpu.memref_squeeze %dma_wait3A_57 : memref<1x80x125xi32, #tpu.memory_space<hbm>> -> memref<80x125xi32, #tpu.memory_space<hbm>>
      %dma_wait3A_59 = arith.constant 0 : i32
      %dma_wait3A_60 = arith.constant 0 : i32
      %dma_wait3A_61 = tpu.memref_slice %arg4[%add3A, %dma_wait3A_59, %dma_wait3A_60] : memref<32x80x125xi32, #tpu.memory_space<hbm>> -> memref<1x80x125xi32, #tpu.memory_space<hbm>>
      %dma_wait3A_62 = tpu.memref_squeeze %dma_wait3A_61 : memref<1x80x125xi32, #tpu.memory_space<hbm>> -> memref<80x125xi32, #tpu.memory_space<hbm>>
      tpu.wait_dma2 semaphore(%run_scoped3A : memref<!tpu.dma_semaphore, #tpu.memory_space<semaphore_mem>>) src(%dma_wait3A_62 : memref<80x125xi32, #tpu.memory_space<hbm>>) dst(%arg7 : memref<80x125xi32, #tpu.memory_space<vmem>>)
      tpu.yield
    }) : () -> ()
    %barrier3A = arith.constant 0 : index
    tpu.barrier barrier_id(%barrier3A)
    %dma_start3A = arith.constant 0 : i32
    %dma_start3A_9 = arith.constant 0 : i32
    %dma_start3A_10 = tpu.memref_slice %arg6[%dma_start3A, %dma_start3A_9] : memref<80x125xi32, #tpu.memory_space<vmem>> -> memref<1x125xi32, #tpu.memory_space<vmem>>
    %dma_start3A_11 = tpu.memref_squeeze %dma_start3A_10 : memref<1x125xi32, #tpu.memory_space<vmem>> -> memref<125xi32, #tpu.memory_space<vmem>>
    %dma_start3A_12 = arith.constant 0 : i32
    %dma_start3A_13 = arith.constant 0 : i32
    %dma_start3A_14 = tpu.memref_slice %arg2[%dma_start3A_12, %dma_start3A_13] : memref<10000x16xf32, #tpu.memory_space<hbm>> -> memref<10000x16xf32, #tpu.memory_space<hbm>>
    tpu.enqueue_indirect_dma source(%dma_start3A_14 : memref<10000x16xf32, #tpu.memory_space<hbm>>) target(%arg8 : memref<125x16xf32, #tpu.memory_space<vmem>>) offsets(%dma_start3A_11 : memref<125xi32, #tpu.memory_space<vmem>>) semaphore(%arg13 : memref<!tpu.dma_semaphore, #tpu.memory_space<semaphore_mem>>)
    %dma_start3A_15 = arith.constant 1 : i32
    %dma_start3A_16 = arith.constant 0 : i32
    %dma_start3A_17 = tpu.memref_slice %arg6[%dma_start3A_15, %dma_start3A_16] : memref<80x125xi32, #tpu.memory_space<vmem>> -> memref<1x125xi32, #tpu.memory_space<vmem>>
    %dma_start3A_18 = tpu.memref_squeeze %dma_start3A_17 : memref<1x125xi32, #tpu.memory_space<vmem>> -> memref<125xi32, #tpu.memory_space<vmem>>
    %dma_start3A_19 = arith.constant 0 : i32
    %dma_start3A_20 = arith.constant 0 : i32
    %dma_start3A_21 = tpu.memref_slice %arg2[%dma_start3A_19, %dma_start3A_20] : memref<10000x16xf32, #tpu.memory_space<hbm>> -> memref<10000x16xf32, #tpu.memory_space<hbm>>
    tpu.enqueue_indirect_dma source(%dma_start3A_21 : memref<10000x16xf32, #tpu.memory_space<hbm>>) target(%arg9 : memref<125x16xf32, #tpu.memory_space<vmem>>) offsets(%dma_start3A_18 : memref<125xi32, #tpu.memory_space<vmem>>) semaphore(%arg14 : memref<!tpu.dma_semaphore, #tpu.memory_space<semaphore_mem>>)
    %dma_start3A_22 = arith.constant 2 : i32
    %dma_start3A_23 = arith.constant 0 : i32
    %dma_start3A_24 = tpu.memref_slice %arg6[%dma_start3A_22, %dma_start3A_23] : memref<80x125xi32, #tpu.memory_space<vmem>> -> memref<1x125xi32, #tpu.memory_space<vmem>>
    %dma_start3A_25 = tpu.memref_squeeze %dma_start3A_24 : memref<1x125xi32, #tpu.memory_space<vmem>> -> memref<125xi32, #tpu.memory_space<vmem>>
    %dma_start3A_26 = arith.constant 0 : i32
    %dma_start3A_27 = arith.constant 0 : i32
    %dma_start3A_28 = tpu.memref_slice %arg2[%dma_start3A_26, %dma_start3A_27] : memref<10000x16xf32, #tpu.memory_space<hbm>> -> memref<10000x16xf32, #tpu.memory_space<hbm>>
    tpu.enqueue_indirect_dma source(%dma_start3A_28 : memref<10000x16xf32, #tpu.memory_space<hbm>>) target(%arg10 : memref<125x16xf32, #tpu.memory_space<vmem>>) offsets(%dma_start3A_25 : memref<125xi32, #tpu.memory_space<vmem>>) semaphore(%arg15 : memref<!tpu.dma_semaphore, #tpu.memory_space<semaphore_mem>>)
    %scan3A_29 = arith.constant 0 : i32
    %scan3A_30 = arith.constant 0 : i32
    %scan3A_31 = arith.constant 20 : i32
    %scan3A_32 = arith.addi %scan3A_30, %scan3A_31 : i32
    %scan3A_33 = arith.constant 1 : i32
    %scan3A_34 = scf.for %scan3A_47 = %scan3A_30 to %scan3A_32 step %scan3A_33 iter_args(%scan3A_48 = %scan3A_29) -> (i32)  : i32 {
      %mul3A_49 = arith.constant 4 : i32
      %mul3A_50 = arith.muli %mul3A_49, %scan3A_47 : i32
      %add3A_51 = arith.constant 0 : i32
      %add3A_52 = arith.addi %mul3A_50, %add3A_51 : i32
      %dma_wait3A_53 = arith.constant 0 : i32
      %dma_wait3A_54 = tpu.memref_slice %arg6[%add3A_52, %dma_wait3A_53] : memref<80x125xi32, #tpu.memory_space<vmem>> -> memref<1x125xi32, #tpu.memory_space<vmem>>
      %dma_wait3A_55 = tpu.memref_squeeze %dma_wait3A_54 : memref<1x125xi32, #tpu.memory_space<vmem>> -> memref<125xi32, #tpu.memory_space<vmem>>
      %dma_wait3A_56 = arith.constant 0 : i32
      %dma_wait3A_57 = arith.constant 0 : i32
      %dma_wait3A_58 = tpu.memref_slice %arg2[%dma_wait3A_56, %dma_wait3A_57] : memref<10000x16xf32, #tpu.memory_space<hbm>> -> memref<10000x16xf32, #tpu.memory_space<hbm>>
      tpu.wait_indirect_dma semaphore(%arg13 : memref<!tpu.dma_semaphore, #tpu.memory_space<semaphore_mem>>) src(%dma_wait3A_58 : memref<10000x16xf32, #tpu.memory_space<hbm>>) dst(%arg8 : memref<125x16xf32, #tpu.memory_space<vmem>>)
      %ge3A = arith.constant 1 : i32
      %ge3A_59 = arith.cmpi sge, %add3A_52, %ge3A : i32
      %convert_element_type3A = arith.extui %ge3A_59 : i1 to i32
      %cond3A = arith.constant 0 : i32
      %cond3A_60 = arith.cmpi ne, %convert_element_type3A, %cond3A : i32
      scf.if %cond3A_60 {
        %sub3A = arith.constant 1 : i32
        %sub3A_158 = arith.subi %add3A_52, %sub3A : i32
        %dma_wait3A_159 = arith.constant 0 : i32
        %dma_wait3A_160 = tpu.memref_slice %arg7[%sub3A_158, %dma_wait3A_159] : memref<80x125xi32, #tpu.memory_space<vmem>> -> memref<1x125xi32, #tpu.memory_space<vmem>>
        %dma_wait3A_161 = tpu.memref_squeeze %dma_wait3A_160 : memref<1x125xi32, #tpu.memory_space<vmem>> -> memref<125xi32, #tpu.memory_space<vmem>>
        %dma_wait3A_162 = arith.constant 0 : i32
        %dma_wait3A_163 = arith.constant 0 : i32
        %dma_wait3A_164 = tpu.memref_slice %arg21[%dma_wait3A_162, %dma_wait3A_163] : memref<10000x16xf32, #tpu.memory_space<vmem_shared>> -> memref<10000x16xf32, #tpu.memory_space<vmem_shared>>
        tpu.wait_indirect_dma semaphore(%arg20 : memref<!tpu.dma_semaphore, #tpu.memory_space<semaphore_mem>>) src(%arg11 : memref<125x16xf32, #tpu.memory_space<vmem>>) dst(%dma_wait3A_164 : memref<10000x16xf32, #tpu.memory_space<vmem_shared>>)
      } else {
      }
      %dma_start3A_61 = arith.constant 0 : i32
      %dma_start3A_62 = tpu.memref_slice %arg7[%add3A_52, %dma_start3A_61] : memref<80x125xi32, #tpu.memory_space<vmem>> -> memref<1x125xi32, #tpu.memory_space<vmem>>
      %dma_start3A_63 = tpu.memref_squeeze %dma_start3A_62 : memref<1x125xi32, #tpu.memory_space<vmem>> -> memref<125xi32, #tpu.memory_space<vmem>>
      %dma_start3A_64 = arith.constant 0 : i32
      %dma_start3A_65 = arith.constant 0 : i32
      %dma_start3A_66 = tpu.memref_slice %arg21[%dma_start3A_64, %dma_start3A_65] : memref<10000x16xf32, #tpu.memory_space<vmem_shared>> -> memref<10000x16xf32, #tpu.memory_space<vmem_shared>>
      tpu.enqueue_indirect_dma source(%arg8 : memref<125x16xf32, #tpu.memory_space<vmem>>) target(%dma_start3A_66 : memref<10000x16xf32, #tpu.memory_space<vmem_shared>>) offsets(%dma_start3A_63 : memref<125xi32, #tpu.memory_space<vmem>>) semaphore(%arg17 : memref<!tpu.dma_semaphore, #tpu.memory_space<semaphore_mem>>) {add = true}
      %add3A_67 = arith.constant 3 : i32
      %add3A_68 = arith.addi %add3A_52, %add3A_67 : i32
      %lt3A = arith.constant 80 : i32
      %lt3A_69 = arith.cmpi slt, %add3A_68, %lt3A : i32
      %convert_element_type3A_70 = arith.extui %lt3A_69 : i1 to i32
      %cond3A_71 = arith.constant 0 : i32
      %cond3A_72 = arith.cmpi ne, %convert_element_type3A_70, %cond3A_71 : i32
      scf.if %cond3A_72 {
        %add3A_158 = arith.constant 3 : i32
        %add3A_159 = arith.addi %add3A_52, %add3A_158 : i32
        %dma_start3A_160 = arith.constant 0 : i32
        %dma_start3A_161 = tpu.memref_slice %arg6[%add3A_159, %dma_start3A_160] : memref<80x125xi32, #tpu.memory_space<vmem>> -> memref<1x125xi32, #tpu.memory_space<vmem>>
        %dma_start3A_162 = tpu.memref_squeeze %dma_start3A_161 : memref<1x125xi32, #tpu.memory_space<vmem>> -> memref<125xi32, #tpu.memory_space<vmem>>
        %dma_start3A_163 = arith.constant 0 : i32
        %dma_start3A_164 = arith.constant 0 : i32
        %dma_start3A_165 = tpu.memref_slice %arg2[%dma_start3A_163, %dma_start3A_164] : memref<10000x16xf32, #tpu.memory_space<hbm>> -> memref<10000x16xf32, #tpu.memory_space<hbm>>
        tpu.enqueue_indirect_dma source(%dma_start3A_165 : memref<10000x16xf32, #tpu.memory_space<hbm>>) target(%arg11 : memref<125x16xf32, #tpu.memory_space<vmem>>) offsets(%dma_start3A_162 : memref<125xi32, #tpu.memory_space<vmem>>) semaphore(%arg16 : memref<!tpu.dma_semaphore, #tpu.memory_space<semaphore_mem>>)
      } else {
      }
      %mul3A_73 = arith.constant 4 : i32
      %mul3A_74 = arith.muli %mul3A_73, %scan3A_47 : i32
      %add3A_75 = arith.constant 1 : i32
      %add3A_76 = arith.addi %mul3A_74, %add3A_75 : i32
      %dma_wait3A_77 = arith.constant 0 : i32
      %dma_wait3A_78 = tpu.memref_slice %arg6[%add3A_76, %dma_wait3A_77] : memref<80x125xi32, #tpu.memory_space<vmem>> -> memref<1x125xi32, #tpu.memory_space<vmem>>
      %dma_wait3A_79 = tpu.memref_squeeze %dma_wait3A_78 : memref<1x125xi32, #tpu.memory_space<vmem>> -> memref<125xi32, #tpu.memory_space<vmem>>
      %dma_wait3A_80 = arith.constant 0 : i32
      %dma_wait3A_81 = arith.constant 0 : i32
      %dma_wait3A_82 = tpu.memref_slice %arg2[%dma_wait3A_80, %dma_wait3A_81] : memref<10000x16xf32, #tpu.memory_space<hbm>> -> memref<10000x16xf32, #tpu.memory_space<hbm>>
      tpu.wait_indirect_dma semaphore(%arg14 : memref<!tpu.dma_semaphore, #tpu.memory_space<semaphore_mem>>) src(%dma_wait3A_82 : memref<10000x16xf32, #tpu.memory_space<hbm>>) dst(%arg9 : memref<125x16xf32, #tpu.memory_space<vmem>>)
      %ge3A_83 = arith.constant 1 : i32
      %ge3A_84 = arith.cmpi sge, %add3A_76, %ge3A_83 : i32
      %convert_element_type3A_85 = arith.extui %ge3A_84 : i1 to i32
      %cond3A_86 = arith.constant 0 : i32
      %cond3A_87 = arith.cmpi ne, %convert_element_type3A_85, %cond3A_86 : i32
      scf.if %cond3A_87 {
        %sub3A = arith.constant 1 : i32
        %sub3A_158 = arith.subi %add3A_76, %sub3A : i32
        %dma_wait3A_159 = arith.constant 0 : i32
        %dma_wait3A_160 = tpu.memref_slice %arg7[%sub3A_158, %dma_wait3A_159] : memref<80x125xi32, #tpu.memory_space<vmem>> -> memref<1x125xi32, #tpu.memory_space<vmem>>
        %dma_wait3A_161 = tpu.memref_squeeze %dma_wait3A_160 : memref<1x125xi32, #tpu.memory_space<vmem>> -> memref<125xi32, #tpu.memory_space<vmem>>
        %dma_wait3A_162 = arith.constant 0 : i32
        %dma_wait3A_163 = arith.constant 0 : i32
        %dma_wait3A_164 = tpu.memref_slice %arg21[%dma_wait3A_162, %dma_wait3A_163] : memref<10000x16xf32, #tpu.memory_space<vmem_shared>> -> memref<10000x16xf32, #tpu.memory_space<vmem_shared>>
        tpu.wait_indirect_dma semaphore(%arg17 : memref<!tpu.dma_semaphore, #tpu.memory_space<semaphore_mem>>) src(%arg8 : memref<125x16xf32, #tpu.memory_space<vmem>>) dst(%dma_wait3A_164 : memref<10000x16xf32, #tpu.memory_space<vmem_shared>>)
      } else {
      }
      %dma_start3A_88 = arith.constant 0 : i32
      %dma_start3A_89 = tpu.memref_slice %arg7[%add3A_76, %dma_start3A_88] : memref<80x125xi32, #tpu.memory_space<vmem>> -> memref<1x125xi32, #tpu.memory_space<vmem>>
      %dma_start3A_90 = tpu.memref_squeeze %dma_start3A_89 : memref<1x125xi32, #tpu.memory_space<vmem>> -> memref<125xi32, #tpu.memory_space<vmem>>
      %dma_start3A_91 = arith.constant 0 : i32
      %dma_start3A_92 = arith.constant 0 : i32
      %dma_start3A_93 = tpu.memref_slice %arg21[%dma_start3A_91, %dma_start3A_92] : memref<10000x16xf32, #tpu.memory_space<vmem_shared>> -> memref<10000x16xf32, #tpu.memory_space<vmem_shared>>
      tpu.enqueue_indirect_dma source(%arg9 : memref<125x16xf32, #tpu.memory_space<vmem>>) target(%dma_start3A_93 : memref<10000x16xf32, #tpu.memory_space<vmem_shared>>) offsets(%dma_start3A_90 : memref<125xi32, #tpu.memory_space<vmem>>) semaphore(%arg18 : memref<!tpu.dma_semaphore, #tpu.memory_space<semaphore_mem>>) {add = true}
      %add3A_94 = arith.constant 3 : i32
      %add3A_95 = arith.addi %add3A_76, %add3A_94 : i32
      %lt3A_96 = arith.constant 80 : i32
      %lt3A_97 = arith.cmpi slt, %add3A_95, %lt3A_96 : i32
      %convert_element_type3A_98 = arith.extui %lt3A_97 : i1 to i32
      %cond3A_99 = arith.constant 0 : i32
      %cond3A_100 = arith.cmpi ne, %convert_element_type3A_98, %cond3A_99 : i32
      scf.if %cond3A_100 {
        %add3A_158 = arith.constant 3 : i32
        %add3A_159 = arith.addi %add3A_76, %add3A_158 : i32
        %dma_start3A_160 = arith.constant 0 : i32
        %dma_start3A_161 = tpu.memref_slice %arg6[%add3A_159, %dma_start3A_160] : memref<80x125xi32, #tpu.memory_space<vmem>> -> memref<1x125xi32, #tpu.memory_space<vmem>>
        %dma_start3A_162 = tpu.memref_squeeze %dma_start3A_161 : memref<1x125xi32, #tpu.memory_space<vmem>> -> memref<125xi32, #tpu.memory_space<vmem>>
        %dma_start3A_163 = arith.constant 0 : i32
        %dma_start3A_164 = arith.constant 0 : i32
        %dma_start3A_165 = tpu.memref_slice %arg2[%dma_start3A_163, %dma_start3A_164] : memref<10000x16xf32, #tpu.memory_space<hbm>> -> memref<10000x16xf32, #tpu.memory_space<hbm>>
        tpu.enqueue_indirect_dma source(%dma_start3A_165 : memref<10000x16xf32, #tpu.memory_space<hbm>>) target(%arg8 : memref<125x16xf32, #tpu.memory_space<vmem>>) offsets(%dma_start3A_162 : memref<125xi32, #tpu.memory_space<vmem>>) semaphore(%arg13 : memref<!tpu.dma_semaphore, #tpu.memory_space<semaphore_mem>>)
      } else {
      }
      %mul3A_101 = arith.constant 4 : i32
      %mul3A_102 = arith.muli %mul3A_101, %scan3A_47 : i32
      %add3A_103 = arith.constant 2 : i32
      %add3A_104 = arith.addi %mul3A_102, %add3A_103 : i32
      %dma_wait3A_105 = arith.constant 0 : i32
      %dma_wait3A_106 = tpu.memref_slice %arg6[%add3A_104, %dma_wait3A_105] : memref<80x125xi32, #tpu.memory_space<vmem>> -> memref<1x125xi32, #tpu.memory_space<vmem>>
      %dma_wait3A_107 = tpu.memref_squeeze %dma_wait3A_106 : memref<1x125xi32, #tpu.memory_space<vmem>> -> memref<125xi32, #tpu.memory_space<vmem>>
      %dma_wait3A_108 = arith.constant 0 : i32
      %dma_wait3A_109 = arith.constant 0 : i32
      %dma_wait3A_110 = tpu.memref_slice %arg2[%dma_wait3A_108, %dma_wait3A_109] : memref<10000x16xf32, #tpu.memory_space<hbm>> -> memref<10000x16xf32, #tpu.memory_space<hbm>>
      tpu.wait_indirect_dma semaphore(%arg15 : memref<!tpu.dma_semaphore, #tpu.memory_space<semaphore_mem>>) src(%dma_wait3A_110 : memref<10000x16xf32, #tpu.memory_space<hbm>>) dst(%arg10 : memref<125x16xf32, #tpu.memory_space<vmem>>)
      %ge3A_111 = arith.constant 1 : i32
      %ge3A_112 = arith.cmpi sge, %add3A_104, %ge3A_111 : i32
      %convert_element_type3A_113 = arith.extui %ge3A_112 : i1 to i32
      %cond3A_114 = arith.constant 0 : i32
      %cond3A_115 = arith.cmpi ne, %convert_element_type3A_113, %cond3A_114 : i32
      scf.if %cond3A_115 {
        %sub3A = arith.constant 1 : i32
        %sub3A_158 = arith.subi %add3A_104, %sub3A : i32
        %dma_wait3A_159 = arith.constant 0 : i32
        %dma_wait3A_160 = tpu.memref_slice %arg7[%sub3A_158, %dma_wait3A_159] : memref<80x125xi32, #tpu.memory_space<vmem>> -> memref<1x125xi32, #tpu.memory_space<vmem>>
        %dma_wait3A_161 = tpu.memref_squeeze %dma_wait3A_160 : memref<1x125xi32, #tpu.memory_space<vmem>> -> memref<125xi32, #tpu.memory_space<vmem>>
        %dma_wait3A_162 = arith.constant 0 : i32
        %dma_wait3A_163 = arith.constant 0 : i32
        %dma_wait3A_164 = tpu.memref_slice %arg21[%dma_wait3A_162, %dma_wait3A_163] : memref<10000x16xf32, #tpu.memory_space<vmem_shared>> -> memref<10000x16xf32, #tpu.memory_space<vmem_shared>>
        tpu.wait_indirect_dma semaphore(%arg18 : memref<!tpu.dma_semaphore, #tpu.memory_space<semaphore_mem>>) src(%arg9 : memref<125x16xf32, #tpu.memory_space<vmem>>) dst(%dma_wait3A_164 : memref<10000x16xf32, #tpu.memory_space<vmem_shared>>)
      } else {
      }
      %dma_start3A_116 = arith.constant 0 : i32
      %dma_start3A_117 = tpu.memref_slice %arg7[%add3A_104, %dma_start3A_116] : memref<80x125xi32, #tpu.memory_space<vmem>> -> memref<1x125xi32, #tpu.memory_space<vmem>>
      %dma_start3A_118 = tpu.memref_squeeze %dma_start3A_117 : memref<1x125xi32, #tpu.memory_space<vmem>> -> memref<125xi32, #tpu.memory_space<vmem>>
      %dma_start3A_119 = arith.constant 0 : i32
      %dma_start3A_120 = arith.constant 0 : i32
      %dma_start3A_121 = tpu.memref_slice %arg21[%dma_start3A_119, %dma_start3A_120] : memref<10000x16xf32, #tpu.memory_space<vmem_shared>> -> memref<10000x16xf32, #tpu.memory_space<vmem_shared>>
      tpu.enqueue_indirect_dma source(%arg10 : memref<125x16xf32, #tpu.memory_space<vmem>>) target(%dma_start3A_121 : memref<10000x16xf32, #tpu.memory_space<vmem_shared>>) offsets(%dma_start3A_118 : memref<125xi32, #tpu.memory_space<vmem>>) semaphore(%arg19 : memref<!tpu.dma_semaphore, #tpu.memory_space<semaphore_mem>>) {add = true}
      %add3A_122 = arith.constant 3 : i32
      %add3A_123 = arith.addi %add3A_104, %add3A_122 : i32
      %lt3A_124 = arith.constant 80 : i32
      %lt3A_125 = arith.cmpi slt, %add3A_123, %lt3A_124 : i32
      %convert_element_type3A_126 = arith.extui %lt3A_125 : i1 to i32
      %cond3A_127 = arith.constant 0 : i32
      %cond3A_128 = arith.cmpi ne, %convert_element_type3A_126, %cond3A_127 : i32
      scf.if %cond3A_128 {
        %add3A_158 = arith.constant 3 : i32
        %add3A_159 = arith.addi %add3A_104, %add3A_158 : i32
        %dma_start3A_160 = arith.constant 0 : i32
        %dma_start3A_161 = tpu.memref_slice %arg6[%add3A_159, %dma_start3A_160] : memref<80x125xi32, #tpu.memory_space<vmem>> -> memref<1x125xi32, #tpu.memory_space<vmem>>
        %dma_start3A_162 = tpu.memref_squeeze %dma_start3A_161 : memref<1x125xi32, #tpu.memory_space<vmem>> -> memref<125xi32, #tpu.memory_space<vmem>>
        %dma_start3A_163 = arith.constant 0 : i32
        %dma_start3A_164 = arith.constant 0 : i32
        %dma_start3A_165 = tpu.memref_slice %arg2[%dma_start3A_163, %dma_start3A_164] : memref<10000x16xf32, #tpu.memory_space<hbm>> -> memref<10000x16xf32, #tpu.memory_space<hbm>>
        tpu.enqueue_indirect_dma source(%dma_start3A_165 : memref<10000x16xf32, #tpu.memory_space<hbm>>) target(%arg9 : memref<125x16xf32, #tpu.memory_space<vmem>>) offsets(%dma_start3A_162 : memref<125xi32, #tpu.memory_space<vmem>>) semaphore(%arg14 : memref<!tpu.dma_semaphore, #tpu.memory_space<semaphore_mem>>)
      } else {
      }
      %mul3A_129 = arith.constant 4 : i32
      %mul3A_130 = arith.muli %mul3A_129, %scan3A_47 : i32
      %add3A_131 = arith.constant 3 : i32
      %add3A_132 = arith.addi %mul3A_130, %add3A_131 : i32
      %dma_wait3A_133 = arith.constant 0 : i32
      %dma_wait3A_134 = tpu.memref_slice %arg6[%add3A_132, %dma_wait3A_133] : memref<80x125xi32, #tpu.memory_space<vmem>> -> memref<1x125xi32, #tpu.memory_space<vmem>>
      %dma_wait3A_135 = tpu.memref_squeeze %dma_wait3A_134 : memref<1x125xi32, #tpu.memory_space<vmem>> -> memref<125xi32, #tpu.memory_space<vmem>>
      %dma_wait3A_136 = arith.constant 0 : i32
      %dma_wait3A_137 = arith.constant 0 : i32
      %dma_wait3A_138 = tpu.memref_slice %arg2[%dma_wait3A_136, %dma_wait3A_137] : memref<10000x16xf32, #tpu.memory_space<hbm>> -> memref<10000x16xf32, #tpu.memory_space<hbm>>
      tpu.wait_indirect_dma semaphore(%arg16 : memref<!tpu.dma_semaphore, #tpu.memory_space<semaphore_mem>>) src(%dma_wait3A_138 : memref<10000x16xf32, #tpu.memory_space<hbm>>) dst(%arg11 : memref<125x16xf32, #tpu.memory_space<vmem>>)
      %ge3A_139 = arith.constant 1 : i32
      %ge3A_140 = arith.cmpi sge, %add3A_132, %ge3A_139 : i32
      %convert_element_type3A_141 = arith.extui %ge3A_140 : i1 to i32
      %cond3A_142 = arith.constant 0 : i32
      %cond3A_143 = arith.cmpi ne, %convert_element_type3A_141, %cond3A_142 : i32
      scf.if %cond3A_143 {
        %sub3A = arith.constant 1 : i32
        %sub3A_158 = arith.subi %add3A_132, %sub3A : i32
        %dma_wait3A_159 = arith.constant 0 : i32
        %dma_wait3A_160 = tpu.memref_slice %arg7[%sub3A_158, %dma_wait3A_159] : memref<80x125xi32, #tpu.memory_space<vmem>> -> memref<1x125xi32, #tpu.memory_space<vmem>>
        %dma_wait3A_161 = tpu.memref_squeeze %dma_wait3A_160 : memref<1x125xi32, #tpu.memory_space<vmem>> -> memref<125xi32, #tpu.memory_space<vmem>>
        %dma_wait3A_162 = arith.constant 0 : i32
        %dma_wait3A_163 = arith.constant 0 : i32
        %dma_wait3A_164 = tpu.memref_slice %arg21[%dma_wait3A_162, %dma_wait3A_163] : memref<10000x16xf32, #tpu.memory_space<vmem_shared>> -> memref<10000x16xf32, #tpu.memory_space<vmem_shared>>
        tpu.wait_indirect_dma semaphore(%arg19 : memref<!tpu.dma_semaphore, #tpu.memory_space<semaphore_mem>>) src(%arg10 : memref<125x16xf32, #tpu.memory_space<vmem>>) dst(%dma_wait3A_164 : memref<10000x16xf32, #tpu.memory_space<vmem_shared>>)
      } else {
      }
      %dma_start3A_144 = arith.constant 0 : i32
      %dma_start3A_145 = tpu.memref_slice %arg7[%add3A_132, %dma_start3A_144] : memref<80x125xi32, #tpu.memory_space<vmem>> -> memref<1x125xi32, #tpu.memory_space<vmem>>
      %dma_start3A_146 = tpu.memref_squeeze %dma_start3A_145 : memref<1x125xi32, #tpu.memory_space<vmem>> -> memref<125xi32, #tpu.memory_space<vmem>>
      %dma_start3A_147 = arith.constant 0 : i32
      %dma_start3A_148 = arith.constant 0 : i32
      %dma_start3A_149 = tpu.memref_slice %arg21[%dma_start3A_147, %dma_start3A_148] : memref<10000x16xf32, #tpu.memory_space<vmem_shared>> -> memref<10000x16xf32, #tpu.memory_space<vmem_shared>>
      tpu.enqueue_indirect_dma source(%arg11 : memref<125x16xf32, #tpu.memory_space<vmem>>) target(%dma_start3A_149 : memref<10000x16xf32, #tpu.memory_space<vmem_shared>>) offsets(%dma_start3A_146 : memref<125xi32, #tpu.memory_space<vmem>>) semaphore(%arg20 : memref<!tpu.dma_semaphore, #tpu.memory_space<semaphore_mem>>) {add = true}
      %add3A_150 = arith.constant 3 : i32
      %add3A_151 = arith.addi %add3A_132, %add3A_150 : i32
      %lt3A_152 = arith.constant 80 : i32
      %lt3A_153 = arith.cmpi slt, %add3A_151, %lt3A_152 : i32
      %convert_element_type3A_154 = arith.extui %lt3A_153 : i1 to i32
      %cond3A_155 = arith.constant 0 : i32
      %cond3A_156 = arith.cmpi ne, %convert_element_type3A_154, %cond3A_155 : i32
      scf.if %cond3A_156 {
        %add3A_158 = arith.constant 3 : i32
        %add3A_159 = arith.addi %add3A_132, %add3A_158 : i32
        %dma_start3A_160 = arith.constant 0 : i32
        %dma_start3A_161 = tpu.memref_slice %arg6[%add3A_159, %dma_start3A_160] : memref<80x125xi32, #tpu.memory_space<vmem>> -> memref<1x125xi32, #tpu.memory_space<vmem>>
        %dma_start3A_162 = tpu.memref_squeeze %dma_start3A_161 : memref<1x125xi32, #tpu.memory_space<vmem>> -> memref<125xi32, #tpu.memory_space<vmem>>
        %dma_start3A_163 = arith.constant 0 : i32
        %dma_start3A_164 = arith.constant 0 : i32
        %dma_start3A_165 = tpu.memref_slice %arg2[%dma_start3A_163, %dma_start3A_164] : memref<10000x16xf32, #tpu.memory_space<hbm>> -> memref<10000x16xf32, #tpu.memory_space<hbm>>
        tpu.enqueue_indirect_dma source(%dma_start3A_165 : memref<10000x16xf32, #tpu.memory_space<hbm>>) target(%arg10 : memref<125x16xf32, #tpu.memory_space<vmem>>) offsets(%dma_start3A_162 : memref<125xi32, #tpu.memory_space<vmem>>) semaphore(%arg15 : memref<!tpu.dma_semaphore, #tpu.memory_space<semaphore_mem>>)
      } else {
      }
      %scan3A_157 = arith.constant 0 : i32
      scf.yield %scan3A_157 : i32
    }
    %scan3A_35 = arith.constant 20 : i32
    %dma_wait3A = arith.constant 79 : i32
    %dma_wait3A_36 = arith.constant 0 : i32
    %dma_wait3A_37 = tpu.memref_slice %arg7[%dma_wait3A, %dma_wait3A_36] : memref<80x125xi32, #tpu.memory_space<vmem>> -> memref<1x125xi32, #tpu.memory_space<vmem>>
    %dma_wait3A_38 = tpu.memref_squeeze %dma_wait3A_37 : memref<1x125xi32, #tpu.memory_space<vmem>> -> memref<125xi32, #tpu.memory_space<vmem>>
    %dma_wait3A_39 = arith.constant 0 : i32
    %dma_wait3A_40 = arith.constant 0 : i32
    %dma_wait3A_41 = tpu.memref_slice %arg21[%dma_wait3A_39, %dma_wait3A_40] : memref<10000x16xf32, #tpu.memory_space<vmem_shared>> -> memref<10000x16xf32, #tpu.memory_space<vmem_shared>>
    tpu.wait_indirect_dma semaphore(%arg20 : memref<!tpu.dma_semaphore, #tpu.memory_space<semaphore_mem>>) src(%arg11 : memref<125x16xf32, #tpu.memory_space<vmem>>) dst(%dma_wait3A_41 : memref<10000x16xf32, #tpu.memory_space<vmem_shared>>)
    %barrier3A_42 = arith.constant 0 : index
    tpu.barrier barrier_id(%barrier3A_42)
    %mul3A_43 = arith.constant 625 : i32
    %mul3A_44 = arith.muli %arg1, %mul3A_43 : i32
    %mul3A_45 = arith.constant 625 : i32
    %mul3A_46 = arith.muli %arg1, %mul3A_45 : i32
    "tpu.region"() ({
      %run_scoped3A = tpu.sem_alloc : memref<!tpu.dma_semaphore, #tpu.memory_space<semaphore_mem>>
      %dma_start3A_47 = arith.constant 0 : i32
      %dma_start3A_48 = tpu.memref_slice %arg5[%arg0, %mul3A_46, %dma_start3A_47] : memref<2x10000x16xf32, #tpu.memory_space<hbm>> -> memref<1x625x16xf32, #tpu.memory_space<hbm>>
      %dma_start3A_49 = tpu.memref_squeeze %dma_start3A_48 : memref<1x625x16xf32, #tpu.memory_space<hbm>> -> memref<625x16xf32, #tpu.memory_space<hbm>>
      %dma_start3A_50 = arith.constant 0 : i32
      %dma_start3A_51 = tpu.memref_slice %arg21[%mul3A_44, %dma_start3A_50] : memref<10000x16xf32, #tpu.memory_space<vmem_shared>> -> memref<625x16xf32, #tpu.memory_space<vmem_shared>>
      tpu.enqueue_dma source(%dma_start3A_51 : memref<625x16xf32, #tpu.memory_space<vmem_shared>>) target(%dma_start3A_49 : memref<625x16xf32, #tpu.memory_space<hbm>>) target_semaphore(%run_scoped3A : memref<!tpu.dma_semaphore, #tpu.memory_space<semaphore_mem>>)
      %dma_wait3A_52 = arith.constant 0 : i32
      %dma_wait3A_53 = tpu.memref_slice %arg5[%arg0, %mul3A_46, %dma_wait3A_52] : memref<2x10000x16xf32, #tpu.memory_space<hbm>> -> memref<1x625x16xf32, #tpu.memory_space<hbm>>
      %dma_wait3A_54 = tpu.memref_squeeze %dma_wait3A_53 : memref<1x625x16xf32, #tpu.memory_space<hbm>> -> memref<625x16xf32, #tpu.memory_space<hbm>>
      %dma_wait3A_55 = arith.constant 0 : i32
      %dma_wait3A_56 = tpu.memref_slice %arg21[%mul3A_44, %dma_wait3A_55] : memref<10000x16xf32, #tpu.memory_space<vmem_shared>> -> memref<625x16xf32, #tpu.memory_space<vmem_shared>>
      tpu.wait_dma2 semaphore(%run_scoped3A : memref<!tpu.dma_semaphore, #tpu.memory_space<semaphore_mem>>) src(%dma_wait3A_56 : memref<625x16xf32, #tpu.memory_space<vmem_shared>>) dst(%dma_wait3A_54 : memref<625x16xf32, #tpu.memory_space<hbm>>)
      tpu.yield
    }) : () -> ()
    return
  }
}

#map = affine_map<(d0, d1) -> (0, 0, 0)>
module attributes {stable_mosaic.version = 14 : i64} {
  func.func @_sc_degree(%arg0: i32, %arg1: i32, %arg2: memref<32x80x125xi32, #tpu.memory_space<hbm>>, %arg3: memref<2x10000x16xf32, #tpu.memory_space<hbm>>, %arg4: memref<80x125xi32, #tpu.memory_space<vmem>>, %arg5: memref<125x16xf32, #tpu.memory_space<vmem>>, %arg6: memref<625x16xf32, #tpu.memory_space<vmem>>, %arg7: memref<10000x16xf32, #tpu.memory_space<vmem_shared>>) attributes {dimension_semantics = [#tpu.dimension_semantics<core_parallel>, #tpu.dimension_semantics<subcore_parallel>], iteration_bounds = array<i64: 2, 16>, scalar_prefetch = 0 : i64, scratch_operands = 4 : i64, tpu.core_type = #tpu.core_type<sc_vector_subcore>, window_params = [{transform_indices = #map}, {transform_indices = #map}]} {
    %mul3A = arith.constant 16 : i32
    %mul3A_0 = arith.muli %arg0, %mul3A : i32
    %add3A = arith.addi %mul3A_0, %arg1 : i32
    %scan3A = arith.constant 0 : i32
    %scan3A_1 = arith.constant 0 : i32
    %scan3A_2 = arith.constant 625 : i32
    %scan3A_3 = arith.addi %scan3A_1, %scan3A_2 : i32
    %scan3A_4 = arith.constant 1 : i32
    %scan3A_5 = scf.for %scan3A_28 = %scan3A_1 to %scan3A_3 step %scan3A_4 iter_args(%scan3A_29 = %scan3A) -> (i32)  : i32 {
      %broadcast_in_dim3A = arith.constant 0.000000e+00 : f32
      %broadcast_in_dim3A_30 = vector.broadcast %broadcast_in_dim3A : f32 to vector<16xf32>
      %swap3A = arith.index_cast %scan3A_28 : i32 to index
      %swap3A_31 = arith.constant 0 : index
      %swap3A_32 = tpu.vector_load %arg6[%swap3A, %swap3A_31] {strides = array<i32>} : memref<625x16xf32, #tpu.memory_space<vmem>>, vector<1x16xf32>,
      %swap3A_33 = vector.shape_cast %swap3A_32 : vector<1x16xf32> to vector<16xf32>
      %swap3A_34 = vector.shape_cast %broadcast_in_dim3A_30 : vector<16xf32> to vector<1x16xf32>
      tpu.vector_store %arg6[%swap3A, %swap3A_31], %swap3A_34 {strides = array<i32>} : memref<625x16xf32, #tpu.memory_space<vmem>>, vector<1x16xf32>,
      %scan3A_35 = arith.constant 0 : i32
      scf.yield %scan3A_35 : i32
    }
    %scan3A_6 = arith.constant 625 : i32
    %scan3A_7 = arith.constant 0 : i32
    %scan3A_8 = arith.constant 0 : i32
    %scan3A_9 = arith.constant 125 : i32
    %scan3A_10 = arith.addi %scan3A_8, %scan3A_9 : i32
    %scan3A_11 = arith.constant 1 : i32
    %scan3A_12 = scf.for %scan3A_28 = %scan3A_8 to %scan3A_10 step %scan3A_11 iter_args(%scan3A_29 = %scan3A_7) -> (i32)  : i32 {
      %broadcast_in_dim3A = arith.constant 1.000000e+00 : f32
      %broadcast_in_dim3A_30 = vector.broadcast %broadcast_in_dim3A : f32 to vector<16xf32>
      %swap3A = arith.index_cast %scan3A_28 : i32 to index
      %swap3A_31 = arith.constant 0 : index
      %swap3A_32 = tpu.vector_load %arg5[%swap3A, %swap3A_31] {strides = array<i32>} : memref<125x16xf32, #tpu.memory_space<vmem>>, vector<1x16xf32>,
      %swap3A_33 = vector.shape_cast %swap3A_32 : vector<1x16xf32> to vector<16xf32>
      %swap3A_34 = vector.shape_cast %broadcast_in_dim3A_30 : vector<16xf32> to vector<1x16xf32>
      tpu.vector_store %arg5[%swap3A, %swap3A_31], %swap3A_34 {strides = array<i32>} : memref<125x16xf32, #tpu.memory_space<vmem>>, vector<1x16xf32>,
      %scan3A_35 = arith.constant 0 : i32
      scf.yield %scan3A_35 : i32
    }
    %scan3A_13 = arith.constant 125 : i32
    %mul3A_14 = arith.constant 625 : i32
    %mul3A_15 = arith.muli %arg1, %mul3A_14 : i32
    "tpu.region"() ({
      %run_scoped3A = tpu.sem_alloc : memref<!tpu.dma_semaphore, #tpu.memory_space<semaphore_mem>>
      %dma_start3A = arith.constant 0 : i32
      %dma_start3A_28 = tpu.memref_slice %arg7[%mul3A_15, %dma_start3A] : memref<10000x16xf32, #tpu.memory_space<vmem_shared>> -> memref<625x16xf32, #tpu.memory_space<vmem_shared>>
      %dma_start3A_29 = arith.constant 0 : i32
      %dma_start3A_30 = tpu.memref_slice %arg7[%mul3A_15, %dma_start3A_29] : memref<10000x16xf32, #tpu.memory_space<vmem_shared>> -> memref<625x16xf32, #tpu.memory_space<vmem_shared>>
      tpu.enqueue_dma source(%arg6 : memref<625x16xf32, #tpu.memory_space<vmem>>) target(%dma_start3A_30 : memref<625x16xf32, #tpu.memory_space<vmem_shared>>) target_semaphore(%run_scoped3A : memref<!tpu.dma_semaphore, #tpu.memory_space<semaphore_mem>>)
      %dma_wait3A = arith.constant 0 : i32
      %dma_wait3A_31 = tpu.memref_slice %arg7[%mul3A_15, %dma_wait3A] : memref<10000x16xf32, #tpu.memory_space<vmem_shared>> -> memref<625x16xf32, #tpu.memory_space<vmem_shared>>
      %dma_wait3A_32 = arith.constant 0 : i32
      %dma_wait3A_33 = tpu.memref_slice %arg7[%mul3A_15, %dma_wait3A_32] : memref<10000x16xf32, #tpu.memory_space<vmem_shared>> -> memref<625x16xf32, #tpu.memory_space<vmem_shared>>
      tpu.wait_dma2 semaphore(%run_scoped3A : memref<!tpu.dma_semaphore, #tpu.memory_space<semaphore_mem>>) src(%arg6 : memref<625x16xf32, #tpu.memory_space<vmem>>) dst(%dma_wait3A_33 : memref<625x16xf32, #tpu.memory_space<vmem_shared>>)
      tpu.yield
    }) : () -> ()
    "tpu.region"() ({
      %run_scoped3A = tpu.sem_alloc : memref<!tpu.dma_semaphore, #tpu.memory_space<semaphore_mem>>
      %dma_start3A = arith.constant 0 : i32
      %dma_start3A_28 = arith.constant 0 : i32
      %dma_start3A_29 = tpu.memref_slice %arg2[%add3A, %dma_start3A, %dma_start3A_28] : memref<32x80x125xi32, #tpu.memory_space<hbm>> -> memref<1x80x125xi32, #tpu.memory_space<hbm>>
      %dma_start3A_30 = tpu.memref_squeeze %dma_start3A_29 : memref<1x80x125xi32, #tpu.memory_space<hbm>> -> memref<80x125xi32, #tpu.memory_space<hbm>>
      %dma_start3A_31 = arith.constant 0 : i32
      %dma_start3A_32 = arith.constant 0 : i32
      %dma_start3A_33 = tpu.memref_slice %arg2[%add3A, %dma_start3A_31, %dma_start3A_32] : memref<32x80x125xi32, #tpu.memory_space<hbm>> -> memref<1x80x125xi32, #tpu.memory_space<hbm>>
      %dma_start3A_34 = tpu.memref_squeeze %dma_start3A_33 : memref<1x80x125xi32, #tpu.memory_space<hbm>> -> memref<80x125xi32, #tpu.memory_space<hbm>>
      tpu.enqueue_dma source(%dma_start3A_34 : memref<80x125xi32, #tpu.memory_space<hbm>>) target(%arg4 : memref<80x125xi32, #tpu.memory_space<vmem>>) target_semaphore(%run_scoped3A : memref<!tpu.dma_semaphore, #tpu.memory_space<semaphore_mem>>)
      %dma_wait3A = arith.constant 0 : i32
      %dma_wait3A_35 = arith.constant 0 : i32
      %dma_wait3A_36 = tpu.memref_slice %arg2[%add3A, %dma_wait3A, %dma_wait3A_35] : memref<32x80x125xi32, #tpu.memory_space<hbm>> -> memref<1x80x125xi32, #tpu.memory_space<hbm>>
      %dma_wait3A_37 = tpu.memref_squeeze %dma_wait3A_36 : memref<1x80x125xi32, #tpu.memory_space<hbm>> -> memref<80x125xi32, #tpu.memory_space<hbm>>
      %dma_wait3A_38 = arith.constant 0 : i32
      %dma_wait3A_39 = arith.constant 0 : i32
      %dma_wait3A_40 = tpu.memref_slice %arg2[%add3A, %dma_wait3A_38, %dma_wait3A_39] : memref<32x80x125xi32, #tpu.memory_space<hbm>> -> memref<1x80x125xi32, #tpu.memory_space<hbm>>
      %dma_wait3A_41 = tpu.memref_squeeze %dma_wait3A_40 : memref<1x80x125xi32, #tpu.memory_space<hbm>> -> memref<80x125xi32, #tpu.memory_space<hbm>>
      tpu.wait_dma2 semaphore(%run_scoped3A : memref<!tpu.dma_semaphore, #tpu.memory_space<semaphore_mem>>) src(%dma_wait3A_41 : memref<80x125xi32, #tpu.memory_space<hbm>>) dst(%arg4 : memref<80x125xi32, #tpu.memory_space<vmem>>)
      tpu.yield
    }) : () -> ()
    %barrier3A = arith.constant 0 : index
    tpu.barrier barrier_id(%barrier3A)
    %scan3A_16 = arith.constant 0 : i32
    %scan3A_17 = arith.constant 0 : i32
    %scan3A_18 = arith.constant 80 : i32
    %scan3A_19 = arith.addi %scan3A_17, %scan3A_18 : i32
    %scan3A_20 = arith.constant 1 : i32
    %scan3A_21 = scf.for %scan3A_28 = %scan3A_17 to %scan3A_19 step %scan3A_20 iter_args(%scan3A_29 = %scan3A_16) -> (i32)  : i32 {
      "tpu.region"() ({
        %run_scoped3A = tpu.sem_alloc : memref<!tpu.dma_semaphore, #tpu.memory_space<semaphore_mem>>
        %dma_start3A = arith.constant 0 : i32
        %dma_start3A_31 = tpu.memref_slice %arg4[%scan3A_28, %dma_start3A] : memref<80x125xi32, #tpu.memory_space<vmem>> -> memref<1x125xi32, #tpu.memory_space<vmem>>
        %dma_start3A_32 = tpu.memref_squeeze %dma_start3A_31 : memref<1x125xi32, #tpu.memory_space<vmem>> -> memref<125xi32, #tpu.memory_space<vmem>>
        %dma_start3A_33 = arith.constant 0 : i32
        %dma_start3A_34 = arith.constant 0 : i32
        %dma_start3A_35 = tpu.memref_slice %arg7[%dma_start3A_33, %dma_start3A_34] : memref<10000x16xf32, #tpu.memory_space<vmem_shared>> -> memref<10000x16xf32, #tpu.memory_space<vmem_shared>>
        tpu.enqueue_indirect_dma source(%arg5 : memref<125x16xf32, #tpu.memory_space<vmem>>) target(%dma_start3A_35 : memref<10000x16xf32, #tpu.memory_space<vmem_shared>>) offsets(%dma_start3A_32 : memref<125xi32, #tpu.memory_space<vmem>>) semaphore(%run_scoped3A : memref<!tpu.dma_semaphore, #tpu.memory_space<semaphore_mem>>) {add = true}
        %dma_wait3A = arith.constant 0 : i32
        %dma_wait3A_36 = tpu.memref_slice %arg4[%scan3A_28, %dma_wait3A] : memref<80x125xi32, #tpu.memory_space<vmem>> -> memref<1x125xi32, #tpu.memory_space<vmem>>
        %dma_wait3A_37 = tpu.memref_squeeze %dma_wait3A_36 : memref<1x125xi32, #tpu.memory_space<vmem>> -> memref<125xi32, #tpu.memory_space<vmem>>
        %dma_wait3A_38 = arith.constant 0 : i32
        %dma_wait3A_39 = arith.constant 0 : i32
        %dma_wait3A_40 = tpu.memref_slice %arg7[%dma_wait3A_38, %dma_wait3A_39] : memref<10000x16xf32, #tpu.memory_space<vmem_shared>> -> memref<10000x16xf32, #tpu.memory_space<vmem_shared>>
        tpu.wait_indirect_dma semaphore(%run_scoped3A : memref<!tpu.dma_semaphore, #tpu.memory_space<semaphore_mem>>) src(%arg5 : memref<125x16xf32, #tpu.memory_space<vmem>>) dst(%dma_wait3A_40 : memref<10000x16xf32, #tpu.memory_space<vmem_shared>>)
        tpu.yield
      }) : () -> ()
      %scan3A_30 = arith.constant 0 : i32
      scf.yield %scan3A_30 : i32
    }
    %scan3A_22 = arith.constant 80 : i32
    %barrier3A_23 = arith.constant 0 : index
    tpu.barrier barrier_id(%barrier3A_23)
    %mul3A_24 = arith.constant 625 : i32
    %mul3A_25 = arith.muli %arg1, %mul3A_24 : i32
    %mul3A_26 = arith.constant 625 : i32
    %mul3A_27 = arith.muli %arg1, %mul3A_26 : i32
    "tpu.region"() ({
      %run_scoped3A = tpu.sem_alloc : memref<!tpu.dma_semaphore, #tpu.memory_space<semaphore_mem>>
      %dma_start3A = arith.constant 0 : i32
      %dma_start3A_28 = tpu.memref_slice %arg3[%arg0, %mul3A_27, %dma_start3A] : memref<2x10000x16xf32, #tpu.memory_space<hbm>> -> memref<1x625x16xf32, #tpu.memory_space<hbm>>
      %dma_start3A_29 = tpu.memref_squeeze %dma_start3A_28 : memref<1x625x16xf32, #tpu.memory_space<hbm>> -> memref<625x16xf32, #tpu.memory_space<hbm>>
      %dma_start3A_30 = arith.constant 0 : i32
      %dma_start3A_31 = tpu.memref_slice %arg7[%mul3A_25, %dma_start3A_30] : memref<10000x16xf32, #tpu.memory_space<vmem_shared>> -> memref<625x16xf32, #tpu.memory_space<vmem_shared>>
      tpu.enqueue_dma source(%dma_start3A_31 : memref<625x16xf32, #tpu.memory_space<vmem_shared>>) target(%dma_start3A_29 : memref<625x16xf32, #tpu.memory_space<hbm>>) target_semaphore(%run_scoped3A : memref<!tpu.dma_semaphore, #tpu.memory_space<semaphore_mem>>)
      %dma_wait3A = arith.constant 0 : i32
      %dma_wait3A_32 = tpu.memref_slice %arg3[%arg0, %mul3A_27, %dma_wait3A] : memref<2x10000x16xf32, #tpu.memory_space<hbm>> -> memref<1x625x16xf32, #tpu.memory_space<hbm>>
      %dma_wait3A_33 = tpu.memref_squeeze %dma_wait3A_32 : memref<1x625x16xf32, #tpu.memory_space<hbm>> -> memref<625x16xf32, #tpu.memory_space<hbm>>
      %dma_wait3A_34 = arith.constant 0 : i32
      %dma_wait3A_35 = tpu.memref_slice %arg7[%mul3A_25, %dma_wait3A_34] : memref<10000x16xf32, #tpu.memory_space<vmem_shared>> -> memref<625x16xf32, #tpu.memory_space<vmem_shared>>
      tpu.wait_dma2 semaphore(%run_scoped3A : memref<!tpu.dma_semaphore, #tpu.memory_space<semaphore_mem>>) src(%dma_wait3A_35 : memref<625x16xf32, #tpu.memory_space<vmem_shared>>) dst(%dma_wait3A_33 : memref<625x16xf32, #tpu.memory_space<hbm>>)
      tpu.yield
    }) : () -> ()
    return
  }
}

#map = affine_map<(d0, d1) -> (0, 0)>
#map1 = affine_map<(d0, d1) -> (0, 0, 0)>
module attributes {stable_mosaic.version = 14 : i64} {
  func.func @_sc_spmm(%arg0: i32, %arg1: i32, %arg2: memref<10000x16xf32, #tpu.memory_space<hbm>>, %arg3: memref<32x80x125xi32, #tpu.memory_space<hbm>>, %arg4: memref<32x80x125xi32, #tpu.memory_space<hbm>>, %arg5: memref<2x10000x16xf32, #tpu.memory_space<hbm>>, %arg6: memref<80x125xi32, #tpu.memory_space<vmem>>, %arg7: memref<80x125xi32, #tpu.memory_space<vmem>>, %arg8: memref<125x16xf32, #tpu.memory_space<vmem>>, %arg9: memref<125x16xf32, #tpu.memory_space<vmem>>, %arg10: memref<125x16xf32, #tpu.memory_space<vmem>>, %arg11: memref<125x16xf32, #tpu.memory_space<vmem>>, %arg12: memref<625x16xf32, #tpu.memory_space<vmem>>, %arg13: memref<!tpu.dma_semaphore, #tpu.memory_space<semaphore_mem>>, %arg14: memref<!tpu.dma_semaphore, #tpu.memory_space<semaphore_mem>>, %arg15: memref<!tpu.dma_semaphore, #tpu.memory_space<semaphore_mem>>, %arg16: memref<!tpu.dma_semaphore, #tpu.memory_space<semaphore_mem>>, %arg17: memref<!tpu.dma_semaphore, #tpu.memory_space<semaphore_mem>>, %arg18: memref<!tpu.dma_semaphore, #tpu.memory_space<semaphore_mem>>, %arg19: memref<!tpu.dma_semaphore, #tpu.memory_space<semaphore_mem>>, %arg20: memref<!tpu.dma_semaphore, #tpu.memory_space<semaphore_mem>>, %arg21: memref<10000x16xf32, #tpu.memory_space<vmem_shared>>) attributes {dimension_semantics = [#tpu.dimension_semantics<core_parallel>, #tpu.dimension_semantics<subcore_parallel>], iteration_bounds = array<i64: 2, 16>, scalar_prefetch = 0 : i64, scratch_operands = 16 : i64, tpu.core_type = #tpu.core_type<sc_vector_subcore>, window_params = [{transform_indices = #map}, {transform_indices = #map1}, {transform_indices = #map1}, {transform_indices = #map1}]} {
    %mul3A = arith.constant 16 : i32
    %mul3A_0 = arith.muli %arg0, %mul3A : i32
    %add3A = arith.addi %mul3A_0, %arg1 : i32
    %scan3A = arith.constant 0 : i32
    %scan3A_1 = arith.constant 0 : i32
    %scan3A_2 = arith.constant 625 : i32
    %scan3A_3 = arith.addi %scan3A_1, %scan3A_2 : i32
    %scan3A_4 = arith.constant 1 : i32
    %scan3A_5 = scf.for %scan3A_47 = %scan3A_1 to %scan3A_3 step %scan3A_4 iter_args(%scan3A_48 = %scan3A) -> (i32)  : i32 {
      %broadcast_in_dim3A = arith.constant 0.000000e+00 : f32
      %broadcast_in_dim3A_49 = vector.broadcast %broadcast_in_dim3A : f32 to vector<16xf32>
      %swap3A = arith.index_cast %scan3A_47 : i32 to index
      %swap3A_50 = arith.constant 0 : index
      %swap3A_51 = tpu.vector_load %arg12[%swap3A, %swap3A_50] {strides = array<i32>} : memref<625x16xf32, #tpu.memory_space<vmem>>, vector<1x16xf32>,
      %swap3A_52 = vector.shape_cast %swap3A_51 : vector<1x16xf32> to vector<16xf32>
      %swap3A_53 = vector.shape_cast %broadcast_in_dim3A_49 : vector<16xf32> to vector<1x16xf32>
      tpu.vector_store %arg12[%swap3A, %swap3A_50], %swap3A_53 {strides = array<i32>} : memref<625x16xf32, #tpu.memory_space<vmem>>, vector<1x16xf32>,
      %scan3A_54 = arith.constant 0 : i32
      scf.yield %scan3A_54 : i32
    }
    %scan3A_6 = arith.constant 625 : i32
    %mul3A_7 = arith.constant 625 : i32
    %mul3A_8 = arith.muli %arg1, %mul3A_7 : i32
    "tpu.region"() ({
      %run_scoped3A = tpu.sem_alloc : memref<!tpu.dma_semaphore, #tpu.memory_space<semaphore_mem>>
      %dma_start3A_47 = arith.constant 0 : i32
      %dma_start3A_48 = tpu.memref_slice %arg21[%mul3A_8, %dma_start3A_47] : memref<10000x16xf32, #tpu.memory_space<vmem_shared>> -> memref<625x16xf32, #tpu.memory_space<vmem_shared>>
      %dma_start3A_49 = arith.constant 0 : i32
      %dma_start3A_50 = tpu.memref_slice %arg21[%mul3A_8, %dma_start3A_49] : memref<10000x16xf32, #tpu.memory_space<vmem_shared>> -> memref<625x16xf32, #tpu.memory_space<vmem_shared>>
      tpu.enqueue_dma source(%arg12 : memref<625x16xf32, #tpu.memory_space<vmem>>) target(%dma_start3A_50 : memref<625x16xf32, #tpu.memory_space<vmem_shared>>) target_semaphore(%run_scoped3A : memref<!tpu.dma_semaphore, #tpu.memory_space<semaphore_mem>>)
      %dma_wait3A_51 = arith.constant 0 : i32
      %dma_wait3A_52 = tpu.memref_slice %arg21[%mul3A_8, %dma_wait3A_51] : memref<10000x16xf32, #tpu.memory_space<vmem_shared>> -> memref<625x16xf32, #tpu.memory_space<vmem_shared>>
      %dma_wait3A_53 = arith.constant 0 : i32
      %dma_wait3A_54 = tpu.memref_slice %arg21[%mul3A_8, %dma_wait3A_53] : memref<10000x16xf32, #tpu.memory_space<vmem_shared>> -> memref<625x16xf32, #tpu.memory_space<vmem_shared>>
      tpu.wait_dma2 semaphore(%run_scoped3A : memref<!tpu.dma_semaphore, #tpu.memory_space<semaphore_mem>>) src(%arg12 : memref<625x16xf32, #tpu.memory_space<vmem>>) dst(%dma_wait3A_54 : memref<625x16xf32, #tpu.memory_space<vmem_shared>>)
      tpu.yield
    }) : () -> ()
    "tpu.region"() ({
      %run_scoped3A = tpu.sem_alloc : memref<!tpu.dma_semaphore, #tpu.memory_space<semaphore_mem>>
      %dma_start3A_47 = arith.constant 0 : i32
      %dma_start3A_48 = arith.constant 0 : i32
      %dma_start3A_49 = tpu.memref_slice %arg3[%add3A, %dma_start3A_47, %dma_start3A_48] : memref<32x80x125xi32, #tpu.memory_space<hbm>> -> memref<1x80x125xi32, #tpu.memory_space<hbm>>
      %dma_start3A_50 = tpu.memref_squeeze %dma_start3A_49 : memref<1x80x125xi32, #tpu.memory_space<hbm>> -> memref<80x125xi32, #tpu.memory_space<hbm>>
      %dma_start3A_51 = arith.constant 0 : i32
      %dma_start3A_52 = arith.constant 0 : i32
      %dma_start3A_53 = tpu.memref_slice %arg3[%add3A, %dma_start3A_51, %dma_start3A_52] : memref<32x80x125xi32, #tpu.memory_space<hbm>> -> memref<1x80x125xi32, #tpu.memory_space<hbm>>
      %dma_start3A_54 = tpu.memref_squeeze %dma_start3A_53 : memref<1x80x125xi32, #tpu.memory_space<hbm>> -> memref<80x125xi32, #tpu.memory_space<hbm>>
      tpu.enqueue_dma source(%dma_start3A_54 : memref<80x125xi32, #tpu.memory_space<hbm>>) target(%arg6 : memref<80x125xi32, #tpu.memory_space<vmem>>) target_semaphore(%run_scoped3A : memref<!tpu.dma_semaphore, #tpu.memory_space<semaphore_mem>>)
      %dma_wait3A_55 = arith.constant 0 : i32
      %dma_wait3A_56 = arith.constant 0 : i32
      %dma_wait3A_57 = tpu.memref_slice %arg3[%add3A, %dma_wait3A_55, %dma_wait3A_56] : memref<32x80x125xi32, #tpu.memory_space<hbm>> -> memref<1x80x125xi32, #tpu.memory_space<hbm>>
      %dma_wait3A_58 = tpu.memref_squeeze %dma_wait3A_57 : memref<1x80x125xi32, #tpu.memory_space<hbm>> -> memref<80x125xi32, #tpu.memory_space<hbm>>
      %dma_wait3A_59 = arith.constant 0 : i32
      %dma_wait3A_60 = arith.constant 0 : i32
      %dma_wait3A_61 = tpu.memref_slice %arg3[%add3A, %dma_wait3A_59, %dma_wait3A_60] : memref<32x80x125xi32, #tpu.memory_space<hbm>> -> memref<1x80x125xi32, #tpu.memory_space<hbm>>
      %dma_wait3A_62 = tpu.memref_squeeze %dma_wait3A_61 : memref<1x80x125xi32, #tpu.memory_space<hbm>> -> memref<80x125xi32, #tpu.memory_space<hbm>>
      tpu.wait_dma2 semaphore(%run_scoped3A : memref<!tpu.dma_semaphore, #tpu.memory_space<semaphore_mem>>) src(%dma_wait3A_62 : memref<80x125xi32, #tpu.memory_space<hbm>>) dst(%arg6 : memref<80x125xi32, #tpu.memory_space<vmem>>)
      tpu.yield
    }) : () -> ()
    "tpu.region"() ({
      %run_scoped3A = tpu.sem_alloc : memref<!tpu.dma_semaphore, #tpu.memory_space<semaphore_mem>>
      %dma_start3A_47 = arith.constant 0 : i32
      %dma_start3A_48 = arith.constant 0 : i32
      %dma_start3A_49 = tpu.memref_slice %arg4[%add3A, %dma_start3A_47, %dma_start3A_48] : memref<32x80x125xi32, #tpu.memory_space<hbm>> -> memref<1x80x125xi32, #tpu.memory_space<hbm>>
      %dma_start3A_50 = tpu.memref_squeeze %dma_start3A_49 : memref<1x80x125xi32, #tpu.memory_space<hbm>> -> memref<80x125xi32, #tpu.memory_space<hbm>>
      %dma_start3A_51 = arith.constant 0 : i32
      %dma_start3A_52 = arith.constant 0 : i32
      %dma_start3A_53 = tpu.memref_slice %arg4[%add3A, %dma_start3A_51, %dma_start3A_52] : memref<32x80x125xi32, #tpu.memory_space<hbm>> -> memref<1x80x125xi32, #tpu.memory_space<hbm>>
      %dma_start3A_54 = tpu.memref_squeeze %dma_start3A_53 : memref<1x80x125xi32, #tpu.memory_space<hbm>> -> memref<80x125xi32, #tpu.memory_space<hbm>>
      tpu.enqueue_dma source(%dma_start3A_54 : memref<80x125xi32, #tpu.memory_space<hbm>>) target(%arg7 : memref<80x125xi32, #tpu.memory_space<vmem>>) target_semaphore(%run_scoped3A : memref<!tpu.dma_semaphore, #tpu.memory_space<semaphore_mem>>)
      %dma_wait3A_55 = arith.constant 0 : i32
      %dma_wait3A_56 = arith.constant 0 : i32
      %dma_wait3A_57 = tpu.memref_slice %arg4[%add3A, %dma_wait3A_55, %dma_wait3A_56] : memref<32x80x125xi32, #tpu.memory_space<hbm>> -> memref<1x80x125xi32, #tpu.memory_space<hbm>>
      %dma_wait3A_58 = tpu.memref_squeeze %dma_wait3A_57 : memref<1x80x125xi32, #tpu.memory_space<hbm>> -> memref<80x125xi32, #tpu.memory_space<hbm>>
      %dma_wait3A_59 = arith.constant 0 : i32
      %dma_wait3A_60 = arith.constant 0 : i32
      %dma_wait3A_61 = tpu.memref_slice %arg4[%add3A, %dma_wait3A_59, %dma_wait3A_60] : memref<32x80x125xi32, #tpu.memory_space<hbm>> -> memref<1x80x125xi32, #tpu.memory_space<hbm>>
      %dma_wait3A_62 = tpu.memref_squeeze %dma_wait3A_61 : memref<1x80x125xi32, #tpu.memory_space<hbm>> -> memref<80x125xi32, #tpu.memory_space<hbm>>
      tpu.wait_dma2 semaphore(%run_scoped3A : memref<!tpu.dma_semaphore, #tpu.memory_space<semaphore_mem>>) src(%dma_wait3A_62 : memref<80x125xi32, #tpu.memory_space<hbm>>) dst(%arg7 : memref<80x125xi32, #tpu.memory_space<vmem>>)
      tpu.yield
    }) : () -> ()
    %barrier3A = arith.constant 0 : index
    tpu.barrier barrier_id(%barrier3A)
    %dma_start3A = arith.constant 0 : i32
    %dma_start3A_9 = arith.constant 0 : i32
    %dma_start3A_10 = tpu.memref_slice %arg6[%dma_start3A, %dma_start3A_9] : memref<80x125xi32, #tpu.memory_space<vmem>> -> memref<1x125xi32, #tpu.memory_space<vmem>>
    %dma_start3A_11 = tpu.memref_squeeze %dma_start3A_10 : memref<1x125xi32, #tpu.memory_space<vmem>> -> memref<125xi32, #tpu.memory_space<vmem>>
    %dma_start3A_12 = arith.constant 0 : i32
    %dma_start3A_13 = arith.constant 0 : i32
    %dma_start3A_14 = tpu.memref_slice %arg2[%dma_start3A_12, %dma_start3A_13] : memref<10000x16xf32, #tpu.memory_space<hbm>> -> memref<10000x16xf32, #tpu.memory_space<hbm>>
    tpu.enqueue_indirect_dma source(%dma_start3A_14 : memref<10000x16xf32, #tpu.memory_space<hbm>>) target(%arg8 : memref<125x16xf32, #tpu.memory_space<vmem>>) offsets(%dma_start3A_11 : memref<125xi32, #tpu.memory_space<vmem>>) semaphore(%arg13 : memref<!tpu.dma_semaphore, #tpu.memory_space<semaphore_mem>>)
    %dma_start3A_15 = arith.constant 1 : i32
    %dma_start3A_16 = arith.constant 0 : i32
    %dma_start3A_17 = tpu.memref_slice %arg6[%dma_start3A_15, %dma_start3A_16] : memref<80x125xi32, #tpu.memory_space<vmem>> -> memref<1x125xi32, #tpu.memory_space<vmem>>
    %dma_start3A_18 = tpu.memref_squeeze %dma_start3A_17 : memref<1x125xi32, #tpu.memory_space<vmem>> -> memref<125xi32, #tpu.memory_space<vmem>>
    %dma_start3A_19 = arith.constant 0 : i32
    %dma_start3A_20 = arith.constant 0 : i32
    %dma_start3A_21 = tpu.memref_slice %arg2[%dma_start3A_19, %dma_start3A_20] : memref<10000x16xf32, #tpu.memory_space<hbm>> -> memref<10000x16xf32, #tpu.memory_space<hbm>>
    tpu.enqueue_indirect_dma source(%dma_start3A_21 : memref<10000x16xf32, #tpu.memory_space<hbm>>) target(%arg9 : memref<125x16xf32, #tpu.memory_space<vmem>>) offsets(%dma_start3A_18 : memref<125xi32, #tpu.memory_space<vmem>>) semaphore(%arg14 : memref<!tpu.dma_semaphore, #tpu.memory_space<semaphore_mem>>)
    %dma_start3A_22 = arith.constant 2 : i32
    %dma_start3A_23 = arith.constant 0 : i32
    %dma_start3A_24 = tpu.memref_slice %arg6[%dma_start3A_22, %dma_start3A_23] : memref<80x125xi32, #tpu.memory_space<vmem>> -> memref<1x125xi32, #tpu.memory_space<vmem>>
    %dma_start3A_25 = tpu.memref_squeeze %dma_start3A_24 : memref<1x125xi32, #tpu.memory_space<vmem>> -> memref<125xi32, #tpu.memory_space<vmem>>
    %dma_start3A_26 = arith.constant 0 : i32
    %dma_start3A_27 = arith.constant 0 : i32
    %dma_start3A_28 = tpu.memref_slice %arg2[%dma_start3A_26, %dma_start3A_27] : memref<10000x16xf32, #tpu.memory_space<hbm>> -> memref<10000x16xf32, #tpu.memory_space<hbm>>
    tpu.enqueue_indirect_dma source(%dma_start3A_28 : memref<10000x16xf32, #tpu.memory_space<hbm>>) target(%arg10 : memref<125x16xf32, #tpu.memory_space<vmem>>) offsets(%dma_start3A_25 : memref<125xi32, #tpu.memory_space<vmem>>) semaphore(%arg15 : memref<!tpu.dma_semaphore, #tpu.memory_space<semaphore_mem>>)
    %scan3A_29 = arith.constant 0 : i32
    %scan3A_30 = arith.constant 0 : i32
    %scan3A_31 = arith.constant 20 : i32
    %scan3A_32 = arith.addi %scan3A_30, %scan3A_31 : i32
    %scan3A_33 = arith.constant 1 : i32
    %scan3A_34 = scf.for %scan3A_47 = %scan3A_30 to %scan3A_32 step %scan3A_33 iter_args(%scan3A_48 = %scan3A_29) -> (i32)  : i32 {
      %mul3A_49 = arith.constant 4 : i32
      %mul3A_50 = arith.muli %mul3A_49, %scan3A_47 : i32
      %add3A_51 = arith.constant 0 : i32
      %add3A_52 = arith.addi %mul3A_50, %add3A_51 : i32
      %dma_wait3A_53 = arith.constant 0 : i32
      %dma_wait3A_54 = tpu.memref_slice %arg6[%add3A_52, %dma_wait3A_53] : memref<80x125xi32, #tpu.memory_space<vmem>> -> memref<1x125xi32, #tpu.memory_space<vmem>>
      %dma_wait3A_55 = tpu.memref_squeeze %dma_wait3A_54 : memref<1x125xi32, #tpu.memory_space<vmem>> -> memref<125xi32, #tpu.memory_space<vmem>>
      %dma_wait3A_56 = arith.constant 0 : i32
      %dma_wait3A_57 = arith.constant 0 : i32
      %dma_wait3A_58 = tpu.memref_slice %arg2[%dma_wait3A_56, %dma_wait3A_57] : memref<10000x16xf32, #tpu.memory_space<hbm>> -> memref<10000x16xf32, #tpu.memory_space<hbm>>
      tpu.wait_indirect_dma semaphore(%arg13 : memref<!tpu.dma_semaphore, #tpu.memory_space<semaphore_mem>>) src(%dma_wait3A_58 : memref<10000x16xf32, #tpu.memory_space<hbm>>) dst(%arg8 : memref<125x16xf32, #tpu.memory_space<vmem>>)
      %ge3A = arith.constant 1 : i32
      %ge3A_59 = arith.cmpi sge, %add3A_52, %ge3A : i32
      %convert_element_type3A = arith.extui %ge3A_59 : i1 to i32
      %cond3A = arith.constant 0 : i32
      %cond3A_60 = arith.cmpi ne, %convert_element_type3A, %cond3A : i32
      scf.if %cond3A_60 {
        %sub3A = arith.constant 1 : i32
        %sub3A_158 = arith.subi %add3A_52, %sub3A : i32
        %dma_wait3A_159 = arith.constant 0 : i32
        %dma_wait3A_160 = tpu.memref_slice %arg7[%sub3A_158, %dma_wait3A_159] : memref<80x125xi32, #tpu.memory_space<vmem>> -> memref<1x125xi32, #tpu.memory_space<vmem>>
        %dma_wait3A_161 = tpu.memref_squeeze %dma_wait3A_160 : memref<1x125xi32, #tpu.memory_space<vmem>> -> memref<125xi32, #tpu.memory_space<vmem>>
        %dma_wait3A_162 = arith.constant 0 : i32
        %dma_wait3A_163 = arith.constant 0 : i32
        %dma_wait3A_164 = tpu.memref_slice %arg21[%dma_wait3A_162, %dma_wait3A_163] : memref<10000x16xf32, #tpu.memory_space<vmem_shared>> -> memref<10000x16xf32, #tpu.memory_space<vmem_shared>>
        tpu.wait_indirect_dma semaphore(%arg20 : memref<!tpu.dma_semaphore, #tpu.memory_space<semaphore_mem>>) src(%arg11 : memref<125x16xf32, #tpu.memory_space<vmem>>) dst(%dma_wait3A_164 : memref<10000x16xf32, #tpu.memory_space<vmem_shared>>)
      } else {
      }
      %dma_start3A_61 = arith.constant 0 : i32
      %dma_start3A_62 = tpu.memref_slice %arg7[%add3A_52, %dma_start3A_61] : memref<80x125xi32, #tpu.memory_space<vmem>> -> memref<1x125xi32, #tpu.memory_space<vmem>>
      %dma_start3A_63 = tpu.memref_squeeze %dma_start3A_62 : memref<1x125xi32, #tpu.memory_space<vmem>> -> memref<125xi32, #tpu.memory_space<vmem>>
      %dma_start3A_64 = arith.constant 0 : i32
      %dma_start3A_65 = arith.constant 0 : i32
      %dma_start3A_66 = tpu.memref_slice %arg21[%dma_start3A_64, %dma_start3A_65] : memref<10000x16xf32, #tpu.memory_space<vmem_shared>> -> memref<10000x16xf32, #tpu.memory_space<vmem_shared>>
      tpu.enqueue_indirect_dma source(%arg8 : memref<125x16xf32, #tpu.memory_space<vmem>>) target(%dma_start3A_66 : memref<10000x16xf32, #tpu.memory_space<vmem_shared>>) offsets(%dma_start3A_63 : memref<125xi32, #tpu.memory_space<vmem>>) semaphore(%arg17 : memref<!tpu.dma_semaphore, #tpu.memory_space<semaphore_mem>>) {add = true}
      %add3A_67 = arith.constant 3 : i32
      %add3A_68 = arith.addi %add3A_52, %add3A_67 : i32
      %lt3A = arith.constant 80 : i32
      %lt3A_69 = arith.cmpi slt, %add3A_68, %lt3A : i32
      %convert_element_type3A_70 = arith.extui %lt3A_69 : i1 to i32
      %cond3A_71 = arith.constant 0 : i32
      %cond3A_72 = arith.cmpi ne, %convert_element_type3A_70, %cond3A_71 : i32
      scf.if %cond3A_72 {
        %add3A_158 = arith.constant 3 : i32
        %add3A_159 = arith.addi %add3A_52, %add3A_158 : i32
        %dma_start3A_160 = arith.constant 0 : i32
        %dma_start3A_161 = tpu.memref_slice %arg6[%add3A_159, %dma_start3A_160] : memref<80x125xi32, #tpu.memory_space<vmem>> -> memref<1x125xi32, #tpu.memory_space<vmem>>
        %dma_start3A_162 = tpu.memref_squeeze %dma_start3A_161 : memref<1x125xi32, #tpu.memory_space<vmem>> -> memref<125xi32, #tpu.memory_space<vmem>>
        %dma_start3A_163 = arith.constant 0 : i32
        %dma_start3A_164 = arith.constant 0 : i32
        %dma_start3A_165 = tpu.memref_slice %arg2[%dma_start3A_163, %dma_start3A_164] : memref<10000x16xf32, #tpu.memory_space<hbm>> -> memref<10000x16xf32, #tpu.memory_space<hbm>>
        tpu.enqueue_indirect_dma source(%dma_start3A_165 : memref<10000x16xf32, #tpu.memory_space<hbm>>) target(%arg11 : memref<125x16xf32, #tpu.memory_space<vmem>>) offsets(%dma_start3A_162 : memref<125xi32, #tpu.memory_space<vmem>>) semaphore(%arg16 : memref<!tpu.dma_semaphore, #tpu.memory_space<semaphore_mem>>)
      } else {
      }
      %mul3A_73 = arith.constant 4 : i32
      %mul3A_74 = arith.muli %mul3A_73, %scan3A_47 : i32
      %add3A_75 = arith.constant 1 : i32
      %add3A_76 = arith.addi %mul3A_74, %add3A_75 : i32
      %dma_wait3A_77 = arith.constant 0 : i32
      %dma_wait3A_78 = tpu.memref_slice %arg6[%add3A_76, %dma_wait3A_77] : memref<80x125xi32, #tpu.memory_space<vmem>> -> memref<1x125xi32, #tpu.memory_space<vmem>>
      %dma_wait3A_79 = tpu.memref_squeeze %dma_wait3A_78 : memref<1x125xi32, #tpu.memory_space<vmem>> -> memref<125xi32, #tpu.memory_space<vmem>>
      %dma_wait3A_80 = arith.constant 0 : i32
      %dma_wait3A_81 = arith.constant 0 : i32
      %dma_wait3A_82 = tpu.memref_slice %arg2[%dma_wait3A_80, %dma_wait3A_81] : memref<10000x16xf32, #tpu.memory_space<hbm>> -> memref<10000x16xf32, #tpu.memory_space<hbm>>
      tpu.wait_indirect_dma semaphore(%arg14 : memref<!tpu.dma_semaphore, #tpu.memory_space<semaphore_mem>>) src(%dma_wait3A_82 : memref<10000x16xf32, #tpu.memory_space<hbm>>) dst(%arg9 : memref<125x16xf32, #tpu.memory_space<vmem>>)
      %ge3A_83 = arith.constant 1 : i32
      %ge3A_84 = arith.cmpi sge, %add3A_76, %ge3A_83 : i32
      %convert_element_type3A_85 = arith.extui %ge3A_84 : i1 to i32
      %cond3A_86 = arith.constant 0 : i32
      %cond3A_87 = arith.cmpi ne, %convert_element_type3A_85, %cond3A_86 : i32
      scf.if %cond3A_87 {
        %sub3A = arith.constant 1 : i32
        %sub3A_158 = arith.subi %add3A_76, %sub3A : i32
        %dma_wait3A_159 = arith.constant 0 : i32
        %dma_wait3A_160 = tpu.memref_slice %arg7[%sub3A_158, %dma_wait3A_159] : memref<80x125xi32, #tpu.memory_space<vmem>> -> memref<1x125xi32, #tpu.memory_space<vmem>>
        %dma_wait3A_161 = tpu.memref_squeeze %dma_wait3A_160 : memref<1x125xi32, #tpu.memory_space<vmem>> -> memref<125xi32, #tpu.memory_space<vmem>>
        %dma_wait3A_162 = arith.constant 0 : i32
        %dma_wait3A_163 = arith.constant 0 : i32
        %dma_wait3A_164 = tpu.memref_slice %arg21[%dma_wait3A_162, %dma_wait3A_163] : memref<10000x16xf32, #tpu.memory_space<vmem_shared>> -> memref<10000x16xf32, #tpu.memory_space<vmem_shared>>
        tpu.wait_indirect_dma semaphore(%arg17 : memref<!tpu.dma_semaphore, #tpu.memory_space<semaphore_mem>>) src(%arg8 : memref<125x16xf32, #tpu.memory_space<vmem>>) dst(%dma_wait3A_164 : memref<10000x16xf32, #tpu.memory_space<vmem_shared>>)
      } else {
      }
      %dma_start3A_88 = arith.constant 0 : i32
      %dma_start3A_89 = tpu.memref_slice %arg7[%add3A_76, %dma_start3A_88] : memref<80x125xi32, #tpu.memory_space<vmem>> -> memref<1x125xi32, #tpu.memory_space<vmem>>
      %dma_start3A_90 = tpu.memref_squeeze %dma_start3A_89 : memref<1x125xi32, #tpu.memory_space<vmem>> -> memref<125xi32, #tpu.memory_space<vmem>>
      %dma_start3A_91 = arith.constant 0 : i32
      %dma_start3A_92 = arith.constant 0 : i32
      %dma_start3A_93 = tpu.memref_slice %arg21[%dma_start3A_91, %dma_start3A_92] : memref<10000x16xf32, #tpu.memory_space<vmem_shared>> -> memref<10000x16xf32, #tpu.memory_space<vmem_shared>>
      tpu.enqueue_indirect_dma source(%arg9 : memref<125x16xf32, #tpu.memory_space<vmem>>) target(%dma_start3A_93 : memref<10000x16xf32, #tpu.memory_space<vmem_shared>>) offsets(%dma_start3A_90 : memref<125xi32, #tpu.memory_space<vmem>>) semaphore(%arg18 : memref<!tpu.dma_semaphore, #tpu.memory_space<semaphore_mem>>) {add = true}
      %add3A_94 = arith.constant 3 : i32
      %add3A_95 = arith.addi %add3A_76, %add3A_94 : i32
      %lt3A_96 = arith.constant 80 : i32
      %lt3A_97 = arith.cmpi slt, %add3A_95, %lt3A_96 : i32
      %convert_element_type3A_98 = arith.extui %lt3A_97 : i1 to i32
      %cond3A_99 = arith.constant 0 : i32
      %cond3A_100 = arith.cmpi ne, %convert_element_type3A_98, %cond3A_99 : i32
      scf.if %cond3A_100 {
        %add3A_158 = arith.constant 3 : i32
        %add3A_159 = arith.addi %add3A_76, %add3A_158 : i32
        %dma_start3A_160 = arith.constant 0 : i32
        %dma_start3A_161 = tpu.memref_slice %arg6[%add3A_159, %dma_start3A_160] : memref<80x125xi32, #tpu.memory_space<vmem>> -> memref<1x125xi32, #tpu.memory_space<vmem>>
        %dma_start3A_162 = tpu.memref_squeeze %dma_start3A_161 : memref<1x125xi32, #tpu.memory_space<vmem>> -> memref<125xi32, #tpu.memory_space<vmem>>
        %dma_start3A_163 = arith.constant 0 : i32
        %dma_start3A_164 = arith.constant 0 : i32
        %dma_start3A_165 = tpu.memref_slice %arg2[%dma_start3A_163, %dma_start3A_164] : memref<10000x16xf32, #tpu.memory_space<hbm>> -> memref<10000x16xf32, #tpu.memory_space<hbm>>
        tpu.enqueue_indirect_dma source(%dma_start3A_165 : memref<10000x16xf32, #tpu.memory_space<hbm>>) target(%arg8 : memref<125x16xf32, #tpu.memory_space<vmem>>) offsets(%dma_start3A_162 : memref<125xi32, #tpu.memory_space<vmem>>) semaphore(%arg13 : memref<!tpu.dma_semaphore, #tpu.memory_space<semaphore_mem>>)
      } else {
      }
      %mul3A_101 = arith.constant 4 : i32
      %mul3A_102 = arith.muli %mul3A_101, %scan3A_47 : i32
      %add3A_103 = arith.constant 2 : i32
      %add3A_104 = arith.addi %mul3A_102, %add3A_103 : i32
      %dma_wait3A_105 = arith.constant 0 : i32
      %dma_wait3A_106 = tpu.memref_slice %arg6[%add3A_104, %dma_wait3A_105] : memref<80x125xi32, #tpu.memory_space<vmem>> -> memref<1x125xi32, #tpu.memory_space<vmem>>
      %dma_wait3A_107 = tpu.memref_squeeze %dma_wait3A_106 : memref<1x125xi32, #tpu.memory_space<vmem>> -> memref<125xi32, #tpu.memory_space<vmem>>
      %dma_wait3A_108 = arith.constant 0 : i32
      %dma_wait3A_109 = arith.constant 0 : i32
      %dma_wait3A_110 = tpu.memref_slice %arg2[%dma_wait3A_108, %dma_wait3A_109] : memref<10000x16xf32, #tpu.memory_space<hbm>> -> memref<10000x16xf32, #tpu.memory_space<hbm>>
      tpu.wait_indirect_dma semaphore(%arg15 : memref<!tpu.dma_semaphore, #tpu.memory_space<semaphore_mem>>) src(%dma_wait3A_110 : memref<10000x16xf32, #tpu.memory_space<hbm>>) dst(%arg10 : memref<125x16xf32, #tpu.memory_space<vmem>>)
      %ge3A_111 = arith.constant 1 : i32
      %ge3A_112 = arith.cmpi sge, %add3A_104, %ge3A_111 : i32
      %convert_element_type3A_113 = arith.extui %ge3A_112 : i1 to i32
      %cond3A_114 = arith.constant 0 : i32
      %cond3A_115 = arith.cmpi ne, %convert_element_type3A_113, %cond3A_114 : i32
      scf.if %cond3A_115 {
        %sub3A = arith.constant 1 : i32
        %sub3A_158 = arith.subi %add3A_104, %sub3A : i32
        %dma_wait3A_159 = arith.constant 0 : i32
        %dma_wait3A_160 = tpu.memref_slice %arg7[%sub3A_158, %dma_wait3A_159] : memref<80x125xi32, #tpu.memory_space<vmem>> -> memref<1x125xi32, #tpu.memory_space<vmem>>
        %dma_wait3A_161 = tpu.memref_squeeze %dma_wait3A_160 : memref<1x125xi32, #tpu.memory_space<vmem>> -> memref<125xi32, #tpu.memory_space<vmem>>
        %dma_wait3A_162 = arith.constant 0 : i32
        %dma_wait3A_163 = arith.constant 0 : i32
        %dma_wait3A_164 = tpu.memref_slice %arg21[%dma_wait3A_162, %dma_wait3A_163] : memref<10000x16xf32, #tpu.memory_space<vmem_shared>> -> memref<10000x16xf32, #tpu.memory_space<vmem_shared>>
        tpu.wait_indirect_dma semaphore(%arg18 : memref<!tpu.dma_semaphore, #tpu.memory_space<semaphore_mem>>) src(%arg9 : memref<125x16xf32, #tpu.memory_space<vmem>>) dst(%dma_wait3A_164 : memref<10000x16xf32, #tpu.memory_space<vmem_shared>>)
      } else {
      }
      %dma_start3A_116 = arith.constant 0 : i32
      %dma_start3A_117 = tpu.memref_slice %arg7[%add3A_104, %dma_start3A_116] : memref<80x125xi32, #tpu.memory_space<vmem>> -> memref<1x125xi32, #tpu.memory_space<vmem>>
      %dma_start3A_118 = tpu.memref_squeeze %dma_start3A_117 : memref<1x125xi32, #tpu.memory_space<vmem>> -> memref<125xi32, #tpu.memory_space<vmem>>
      %dma_start3A_119 = arith.constant 0 : i32
      %dma_start3A_120 = arith.constant 0 : i32
      %dma_start3A_121 = tpu.memref_slice %arg21[%dma_start3A_119, %dma_start3A_120] : memref<10000x16xf32, #tpu.memory_space<vmem_shared>> -> memref<10000x16xf32, #tpu.memory_space<vmem_shared>>
      tpu.enqueue_indirect_dma source(%arg10 : memref<125x16xf32, #tpu.memory_space<vmem>>) target(%dma_start3A_121 : memref<10000x16xf32, #tpu.memory_space<vmem_shared>>) offsets(%dma_start3A_118 : memref<125xi32, #tpu.memory_space<vmem>>) semaphore(%arg19 : memref<!tpu.dma_semaphore, #tpu.memory_space<semaphore_mem>>) {add = true}
      %add3A_122 = arith.constant 3 : i32
      %add3A_123 = arith.addi %add3A_104, %add3A_122 : i32
      %lt3A_124 = arith.constant 80 : i32
      %lt3A_125 = arith.cmpi slt, %add3A_123, %lt3A_124 : i32
      %convert_element_type3A_126 = arith.extui %lt3A_125 : i1 to i32
      %cond3A_127 = arith.constant 0 : i32
      %cond3A_128 = arith.cmpi ne, %convert_element_type3A_126, %cond3A_127 : i32
      scf.if %cond3A_128 {
        %add3A_158 = arith.constant 3 : i32
        %add3A_159 = arith.addi %add3A_104, %add3A_158 : i32
        %dma_start3A_160 = arith.constant 0 : i32
        %dma_start3A_161 = tpu.memref_slice %arg6[%add3A_159, %dma_start3A_160] : memref<80x125xi32, #tpu.memory_space<vmem>> -> memref<1x125xi32, #tpu.memory_space<vmem>>
        %dma_start3A_162 = tpu.memref_squeeze %dma_start3A_161 : memref<1x125xi32, #tpu.memory_space<vmem>> -> memref<125xi32, #tpu.memory_space<vmem>>
        %dma_start3A_163 = arith.constant 0 : i32
        %dma_start3A_164 = arith.constant 0 : i32
        %dma_start3A_165 = tpu.memref_slice %arg2[%dma_start3A_163, %dma_start3A_164] : memref<10000x16xf32, #tpu.memory_space<hbm>> -> memref<10000x16xf32, #tpu.memory_space<hbm>>
        tpu.enqueue_indirect_dma source(%dma_start3A_165 : memref<10000x16xf32, #tpu.memory_space<hbm>>) target(%arg9 : memref<125x16xf32, #tpu.memory_space<vmem>>) offsets(%dma_start3A_162 : memref<125xi32, #tpu.memory_space<vmem>>) semaphore(%arg14 : memref<!tpu.dma_semaphore, #tpu.memory_space<semaphore_mem>>)
      } else {
      }
      %mul3A_129 = arith.constant 4 : i32
      %mul3A_130 = arith.muli %mul3A_129, %scan3A_47 : i32
      %add3A_131 = arith.constant 3 : i32
      %add3A_132 = arith.addi %mul3A_130, %add3A_131 : i32
      %dma_wait3A_133 = arith.constant 0 : i32
      %dma_wait3A_134 = tpu.memref_slice %arg6[%add3A_132, %dma_wait3A_133] : memref<80x125xi32, #tpu.memory_space<vmem>> -> memref<1x125xi32, #tpu.memory_space<vmem>>
      %dma_wait3A_135 = tpu.memref_squeeze %dma_wait3A_134 : memref<1x125xi32, #tpu.memory_space<vmem>> -> memref<125xi32, #tpu.memory_space<vmem>>
      %dma_wait3A_136 = arith.constant 0 : i32
      %dma_wait3A_137 = arith.constant 0 : i32
      %dma_wait3A_138 = tpu.memref_slice %arg2[%dma_wait3A_136, %dma_wait3A_137] : memref<10000x16xf32, #tpu.memory_space<hbm>> -> memref<10000x16xf32, #tpu.memory_space<hbm>>
      tpu.wait_indirect_dma semaphore(%arg16 : memref<!tpu.dma_semaphore, #tpu.memory_space<semaphore_mem>>) src(%dma_wait3A_138 : memref<10000x16xf32, #tpu.memory_space<hbm>>) dst(%arg11 : memref<125x16xf32, #tpu.memory_space<vmem>>)
      %ge3A_139 = arith.constant 1 : i32
      %ge3A_140 = arith.cmpi sge, %add3A_132, %ge3A_139 : i32
      %convert_element_type3A_141 = arith.extui %ge3A_140 : i1 to i32
      %cond3A_142 = arith.constant 0 : i32
      %cond3A_143 = arith.cmpi ne, %convert_element_type3A_141, %cond3A_142 : i32
      scf.if %cond3A_143 {
        %sub3A = arith.constant 1 : i32
        %sub3A_158 = arith.subi %add3A_132, %sub3A : i32
        %dma_wait3A_159 = arith.constant 0 : i32
        %dma_wait3A_160 = tpu.memref_slice %arg7[%sub3A_158, %dma_wait3A_159] : memref<80x125xi32, #tpu.memory_space<vmem>> -> memref<1x125xi32, #tpu.memory_space<vmem>>
        %dma_wait3A_161 = tpu.memref_squeeze %dma_wait3A_160 : memref<1x125xi32, #tpu.memory_space<vmem>> -> memref<125xi32, #tpu.memory_space<vmem>>
        %dma_wait3A_162 = arith.constant 0 : i32
        %dma_wait3A_163 = arith.constant 0 : i32
        %dma_wait3A_164 = tpu.memref_slice %arg21[%dma_wait3A_162, %dma_wait3A_163] : memref<10000x16xf32, #tpu.memory_space<vmem_shared>> -> memref<10000x16xf32, #tpu.memory_space<vmem_shared>>
        tpu.wait_indirect_dma semaphore(%arg19 : memref<!tpu.dma_semaphore, #tpu.memory_space<semaphore_mem>>) src(%arg10 : memref<125x16xf32, #tpu.memory_space<vmem>>) dst(%dma_wait3A_164 : memref<10000x16xf32, #tpu.memory_space<vmem_shared>>)
      } else {
      }
      %dma_start3A_144 = arith.constant 0 : i32
      %dma_start3A_145 = tpu.memref_slice %arg7[%add3A_132, %dma_start3A_144] : memref<80x125xi32, #tpu.memory_space<vmem>> -> memref<1x125xi32, #tpu.memory_space<vmem>>
      %dma_start3A_146 = tpu.memref_squeeze %dma_start3A_145 : memref<1x125xi32, #tpu.memory_space<vmem>> -> memref<125xi32, #tpu.memory_space<vmem>>
      %dma_start3A_147 = arith.constant 0 : i32
      %dma_start3A_148 = arith.constant 0 : i32
      %dma_start3A_149 = tpu.memref_slice %arg21[%dma_start3A_147, %dma_start3A_148] : memref<10000x16xf32, #tpu.memory_space<vmem_shared>> -> memref<10000x16xf32, #tpu.memory_space<vmem_shared>>
      tpu.enqueue_indirect_dma source(%arg11 : memref<125x16xf32, #tpu.memory_space<vmem>>) target(%dma_start3A_149 : memref<10000x16xf32, #tpu.memory_space<vmem_shared>>) offsets(%dma_start3A_146 : memref<125xi32, #tpu.memory_space<vmem>>) semaphore(%arg20 : memref<!tpu.dma_semaphore, #tpu.memory_space<semaphore_mem>>) {add = true}
      %add3A_150 = arith.constant 3 : i32
      %add3A_151 = arith.addi %add3A_132, %add3A_150 : i32
      %lt3A_152 = arith.constant 80 : i32
      %lt3A_153 = arith.cmpi slt, %add3A_151, %lt3A_152 : i32
      %convert_element_type3A_154 = arith.extui %lt3A_153 : i1 to i32
      %cond3A_155 = arith.constant 0 : i32
      %cond3A_156 = arith.cmpi ne, %convert_element_type3A_154, %cond3A_155 : i32
      scf.if %cond3A_156 {
        %add3A_158 = arith.constant 3 : i32
        %add3A_159 = arith.addi %add3A_132, %add3A_158 : i32
        %dma_start3A_160 = arith.constant 0 : i32
        %dma_start3A_161 = tpu.memref_slice %arg6[%add3A_159, %dma_start3A_160] : memref<80x125xi32, #tpu.memory_space<vmem>> -> memref<1x125xi32, #tpu.memory_space<vmem>>
        %dma_start3A_162 = tpu.memref_squeeze %dma_start3A_161 : memref<1x125xi32, #tpu.memory_space<vmem>> -> memref<125xi32, #tpu.memory_space<vmem>>
        %dma_start3A_163 = arith.constant 0 : i32
        %dma_start3A_164 = arith.constant 0 : i32
        %dma_start3A_165 = tpu.memref_slice %arg2[%dma_start3A_163, %dma_start3A_164] : memref<10000x16xf32, #tpu.memory_space<hbm>> -> memref<10000x16xf32, #tpu.memory_space<hbm>>
        tpu.enqueue_indirect_dma source(%dma_start3A_165 : memref<10000x16xf32, #tpu.memory_space<hbm>>) target(%arg10 : memref<125x16xf32, #tpu.memory_space<vmem>>) offsets(%dma_start3A_162 : memref<125xi32, #tpu.memory_space<vmem>>) semaphore(%arg15 : memref<!tpu.dma_semaphore, #tpu.memory_space<semaphore_mem>>)
      } else {
      }
      %scan3A_157 = arith.constant 0 : i32
      scf.yield %scan3A_157 : i32
    }
    %scan3A_35 = arith.constant 20 : i32
    %dma_wait3A = arith.constant 79 : i32
    %dma_wait3A_36 = arith.constant 0 : i32
    %dma_wait3A_37 = tpu.memref_slice %arg7[%dma_wait3A, %dma_wait3A_36] : memref<80x125xi32, #tpu.memory_space<vmem>> -> memref<1x125xi32, #tpu.memory_space<vmem>>
    %dma_wait3A_38 = tpu.memref_squeeze %dma_wait3A_37 : memref<1x125xi32, #tpu.memory_space<vmem>> -> memref<125xi32, #tpu.memory_space<vmem>>
    %dma_wait3A_39 = arith.constant 0 : i32
    %dma_wait3A_40 = arith.constant 0 : i32
    %dma_wait3A_41 = tpu.memref_slice %arg21[%dma_wait3A_39, %dma_wait3A_40] : memref<10000x16xf32, #tpu.memory_space<vmem_shared>> -> memref<10000x16xf32, #tpu.memory_space<vmem_shared>>
    tpu.wait_indirect_dma semaphore(%arg20 : memref<!tpu.dma_semaphore, #tpu.memory_space<semaphore_mem>>) src(%arg11 : memref<125x16xf32, #tpu.memory_space<vmem>>) dst(%dma_wait3A_41 : memref<10000x16xf32, #tpu.memory_space<vmem_shared>>)
    %barrier3A_42 = arith.constant 0 : index
    tpu.barrier barrier_id(%barrier3A_42)
    %mul3A_43 = arith.constant 625 : i32
    %mul3A_44 = arith.muli %arg1, %mul3A_43 : i32
    %mul3A_45 = arith.constant 625 : i32
    %mul3A_46 = arith.muli %arg1, %mul3A_45 : i32
    "tpu.region"() ({
      %run_scoped3A = tpu.sem_alloc : memref<!tpu.dma_semaphore, #tpu.memory_space<semaphore_mem>>
      %dma_start3A_47 = arith.constant 0 : i32
      %dma_start3A_48 = tpu.memref_slice %arg5[%arg0, %mul3A_46, %dma_start3A_47] : memref<2x10000x16xf32, #tpu.memory_space<hbm>> -> memref<1x625x16xf32, #tpu.memory_space<hbm>>
      %dma_start3A_49 = tpu.memref_squeeze %dma_start3A_48 : memref<1x625x16xf32, #tpu.memory_space<hbm>> -> memref<625x16xf32, #tpu.memory_space<hbm>>
      %dma_start3A_50 = arith.constant 0 : i32
      %dma_start3A_51 = tpu.memref_slice %arg21[%mul3A_44, %dma_start3A_50] : memref<10000x16xf32, #tpu.memory_space<vmem_shared>> -> memref<625x16xf32, #tpu.memory_space<vmem_shared>>
      tpu.enqueue_dma source(%dma_start3A_51 : memref<625x16xf32, #tpu.memory_space<vmem_shared>>) target(%dma_start3A_49 : memref<625x16xf32, #tpu.memory_space<hbm>>) target_semaphore(%run_scoped3A : memref<!tpu.dma_semaphore, #tpu.memory_space<semaphore_mem>>)
      %dma_wait3A_52 = arith.constant 0 : i32
      %dma_wait3A_53 = tpu.memref_slice %arg5[%arg0, %mul3A_46, %dma_wait3A_52] : memref<2x10000x16xf32, #tpu.memory_space<hbm>> -> memref<1x625x16xf32, #tpu.memory_space<hbm>>
      %dma_wait3A_54 = tpu.memref_squeeze %dma_wait3A_53 : memref<1x625x16xf32, #tpu.memory_space<hbm>> -> memref<625x16xf32, #tpu.memory_space<hbm>>
      %dma_wait3A_55 = arith.constant 0 : i32
      %dma_wait3A_56 = tpu.memref_slice %arg21[%mul3A_44, %dma_wait3A_55] : memref<10000x16xf32, #tpu.memory_space<vmem_shared>> -> memref<625x16xf32, #tpu.memory_space<vmem_shared>>
      tpu.wait_dma2 semaphore(%run_scoped3A : memref<!tpu.dma_semaphore, #tpu.memory_space<semaphore_mem>>) src(%dma_wait3A_56 : memref<625x16xf32, #tpu.memory_space<vmem_shared>>) dst(%dma_wait3A_54 : memref<625x16xf32, #tpu.memory_space<hbm>>)
      tpu.yield
    }) : () -> ()
    return
  }
}

module attributes {stable_mosaic.version = 14 : i64} {
  func.func @_tc_h1_body(%arg0: memref<10000x128xf32, #tpu.memory_space<vmem>>, %arg1: memref<128x16xf32, #tpu.memory_space<vmem>>, %arg2: memref<2x10000x16xf32, #tpu.memory_space<vmem>>, %arg3: memref<10000x16xf32, #tpu.memory_space<vmem>>, %arg4: memref<10000x16xf32, #tpu.memory_space<vmem>>) attributes {dimension_semantics = [], scalar_prefetch = 0 : i64, scratch_operands = 0 : i64, tpu.core_type = #tpu.core_type<tc>} {
    %get3A = arith.constant 0 : index
    %get3A_0 = arith.constant 0 : index
    %get3A_1 = arith.constant 0 : index
    %get3A_2 = vector.load %arg2[%get3A, %get3A_0, %get3A_1] : memref<2x10000x16xf32, #tpu.memory_space<vmem>>, vector<1x10000x16xf32>
    %get3A_3 = vector.shape_cast %get3A_2 : vector<1x10000x16xf32> to vector<10000x16xf32>
    %get3A_4 = arith.constant 1 : index
    %get3A_5 = arith.constant 0 : index
    %get3A_6 = arith.constant 0 : index
    %get3A_7 = vector.load %arg2[%get3A_4, %get3A_5, %get3A_6] : memref<2x10000x16xf32, #tpu.memory_space<vmem>>, vector<1x10000x16xf32>
    %get3A_8 = vector.shape_cast %get3A_7 : vector<1x10000x16xf32> to vector<10000x16xf32>
    %add3A = arith.addf %get3A_3, %get3A_8 : vector<10000x16xf32>
    %add3A_9 = arith.constant 1.000000e+00 : f32
    %add3A_10 = vector.broadcast %add3A_9 : f32 to vector<10000x16xf32>
    %add3A_11 = arith.addf %add3A, %add3A_10 : vector<10000x16xf32>
    %rsqrt3A = math.rsqrt %add3A_11 : vector<10000x16xf32>
    %get3A_12 = arith.constant 0 : index
    %get3A_13 = arith.constant 0 : index
    %get3A_14 = vector.load %arg0[%get3A_12, %get3A_13] : memref<10000x128xf32, #tpu.memory_space<vmem>>, vector<10000x128xf32>
    %get3A_15 = arith.constant 0 : index
    %get3A_16 = arith.constant 0 : index
    %get3A_17 = vector.load %arg1[%get3A_15, %get3A_16] : memref<128x16xf32, #tpu.memory_space<vmem>>, vector<128x16xf32>
    %dot_general3A = arith.constant dense<0.000000e+00> : vector<10000x16xf32>
    %dot_general3A_18 = tpu.matmul %get3A_14, %get3A_17, %dot_general3A {dimension_numbers = #tpu.dot_dimension_numbers<[1], [0], [0], [1], [0, 0, 1, 1], [], []>, transpose_lhs_hint = false} : vector<10000x128xf32>, vector<128x16xf32>, vector<10000x16xf32> -> vector<10000x16xf32>
    %mul3A = arith.mulf %dot_general3A_18, %rsqrt3A : vector<10000x16xf32>
    %swap3A = arith.constant 0 : index
    %swap3A_19 = arith.constant 0 : index
    %swap3A_20 = vector.load %arg3[%swap3A, %swap3A_19] : memref<10000x16xf32, #tpu.memory_space<vmem>>, vector<10000x16xf32>
    tpu.vector_store %arg3[%swap3A, %swap3A_19], %mul3A {strides = array<i32>} : memref<10000x16xf32, #tpu.memory_space<vmem>>, vector<10000x16xf32>,
    %swap3A_21 = arith.constant 0 : index
    %swap3A_22 = arith.constant 0 : index
    %swap3A_23 = vector.load %arg4[%swap3A_21, %swap3A_22] : memref<10000x16xf32, #tpu.memory_space<vmem>>, vector<10000x16xf32>
    tpu.vector_store %arg4[%swap3A_21, %swap3A_22], %rsqrt3A {strides = array<i32>} : memref<10000x16xf32, #tpu.memory_space<vmem>>, vector<10000x16xf32>,
    return
  }
}

module attributes {stable_mosaic.version = 14 : i64} {
  func.func @_tc_mid_body(%arg0: memref<2x10000x16xf32, #tpu.memory_space<vmem>>, %arg1: memref<10000x16xf32, #tpu.memory_space<vmem>>, %arg2: memref<10000x16xf32, #tpu.memory_space<vmem>>, %arg3: memref<1x16xf32, #tpu.memory_space<vmem>>, %arg4: memref<10000x16xf32, #tpu.memory_space<vmem>>) attributes {dimension_semantics = [], scalar_prefetch = 0 : i64, scratch_operands = 0 : i64, tpu.core_type = #tpu.core_type<tc>} {
    %get3A = arith.constant 0 : index
    %get3A_0 = arith.constant 0 : index
    %get3A_1 = vector.load %arg2[%get3A, %get3A_0] : memref<10000x16xf32, #tpu.memory_space<vmem>>, vector<10000x16xf32>
    %get3A_2 = arith.constant 0 : index
    %get3A_3 = arith.constant 0 : index
    %get3A_4 = arith.constant 0 : index
    %get3A_5 = vector.load %arg0[%get3A_2, %get3A_3, %get3A_4] : memref<2x10000x16xf32, #tpu.memory_space<vmem>>, vector<1x10000x16xf32>
    %get3A_6 = vector.shape_cast %get3A_5 : vector<1x10000x16xf32> to vector<10000x16xf32>
    %get3A_7 = arith.constant 1 : index
    %get3A_8 = arith.constant 0 : index
    %get3A_9 = arith.constant 0 : index
    %get3A_10 = vector.load %arg0[%get3A_7, %get3A_8, %get3A_9] : memref<2x10000x16xf32, #tpu.memory_space<vmem>>, vector<1x10000x16xf32>
    %get3A_11 = vector.shape_cast %get3A_10 : vector<1x10000x16xf32> to vector<10000x16xf32>
    %add3A = arith.addf %get3A_6, %get3A_11 : vector<10000x16xf32>
    %get3A_12 = arith.constant 0 : index
    %get3A_13 = arith.constant 0 : index
    %get3A_14 = vector.load %arg1[%get3A_12, %get3A_13] : memref<10000x16xf32, #tpu.memory_space<vmem>>, vector<10000x16xf32>
    %add3A_15 = arith.addf %add3A, %get3A_14 : vector<10000x16xf32>
    %mul3A = arith.mulf %get3A_1, %add3A_15 : vector<10000x16xf32>
    %get3A_16 = arith.constant 0 : index
    %get3A_17 = arith.constant 0 : index
    %get3A_18 = vector.load %arg3[%get3A_16, %get3A_17] : memref<1x16xf32, #tpu.memory_space<vmem>>, vector<1x16xf32>
    %add3A_19 = vector.broadcast %get3A_18 : vector<1x16xf32> to vector<10000x16xf32>
    %add3A_20 = arith.addf %mul3A, %add3A_19 : vector<10000x16xf32>
    %max3A = arith.constant 0.000000e+00 : f32
    %max3A_21 = vector.broadcast %max3A : f32 to vector<10000x16xf32>
    %max3A_22 = arith.maximumf %add3A_20, %max3A_21 : vector<10000x16xf32>
    %mul3A_23 = arith.mulf %max3A_22, %get3A_1 : vector<10000x16xf32>
    %swap3A = arith.constant 0 : index
    %swap3A_24 = arith.constant 0 : index
    %swap3A_25 = vector.load %arg4[%swap3A, %swap3A_24] : memref<10000x16xf32, #tpu.memory_space<vmem>>, vector<10000x16xf32>
    tpu.vector_store %arg4[%swap3A, %swap3A_24], %mul3A_23 {strides = array<i32>} : memref<10000x16xf32, #tpu.memory_space<vmem>>, vector<10000x16xf32>,
    return
  }
}

module attributes {stable_mosaic.version = 14 : i64} {
  func.func @_tc_out_body(%arg0: memref<2x10000x16xf32, #tpu.memory_space<vmem>>, %arg1: memref<10000x16xf32, #tpu.memory_space<vmem>>, %arg2: memref<10000x16xf32, #tpu.memory_space<vmem>>, %arg3: memref<16x2xf32, #tpu.memory_space<vmem>>, %arg4: memref<1x2xf32, #tpu.memory_space<vmem>>, %arg5: memref<10000x2xf32, #tpu.memory_space<vmem>>) attributes {dimension_semantics = [], scalar_prefetch = 0 : i64, scratch_operands = 0 : i64, tpu.core_type = #tpu.core_type<tc>} {
    %get3A = arith.constant 0 : index
    %get3A_0 = arith.constant 0 : index
    %get3A_1 = arith.constant 0 : index
    %get3A_2 = vector.load %arg0[%get3A, %get3A_0, %get3A_1] : memref<2x10000x16xf32, #tpu.memory_space<vmem>>, vector<1x10000x16xf32>
    %get3A_3 = vector.shape_cast %get3A_2 : vector<1x10000x16xf32> to vector<10000x16xf32>
    %get3A_4 = arith.constant 1 : index
    %get3A_5 = arith.constant 0 : index
    %get3A_6 = arith.constant 0 : index
    %get3A_7 = vector.load %arg0[%get3A_4, %get3A_5, %get3A_6] : memref<2x10000x16xf32, #tpu.memory_space<vmem>>, vector<1x10000x16xf32>
    %get3A_8 = vector.shape_cast %get3A_7 : vector<1x10000x16xf32> to vector<10000x16xf32>
    %add3A = arith.addf %get3A_3, %get3A_8 : vector<10000x16xf32>
    %get3A_9 = arith.constant 0 : index
    %get3A_10 = arith.constant 0 : index
    %get3A_11 = vector.load %arg1[%get3A_9, %get3A_10] : memref<10000x16xf32, #tpu.memory_space<vmem>>, vector<10000x16xf32>
    %add3A_12 = arith.addf %add3A, %get3A_11 : vector<10000x16xf32>
    %get3A_13 = arith.constant 0 : index
    %get3A_14 = arith.constant 0 : index
    %get3A_15 = vector.load %arg3[%get3A_13, %get3A_14] : memref<16x2xf32, #tpu.memory_space<vmem>>, vector<16x2xf32>
    %dot_general3A = arith.constant dense<0.000000e+00> : vector<10000x2xf32>
    %dot_general3A_16 = tpu.matmul %add3A_12, %get3A_15, %dot_general3A {dimension_numbers = #tpu.dot_dimension_numbers<[1], [0], [0], [1], [0, 0, 1, 1], [], []>, transpose_lhs_hint = false} : vector<10000x16xf32>, vector<16x2xf32>, vector<10000x2xf32> -> vector<10000x2xf32>
    %get3A_17 = arith.constant 0 : index
    %get3A_18 = arith.constant 0 : index
    %get3A_19 = vector.load %arg2[%get3A_17, %get3A_18] : memref<10000x16xf32, #tpu.memory_space<vmem>>, vector<10000x2xf32>
    %mul3A = arith.mulf %get3A_19, %dot_general3A_16 : vector<10000x2xf32>
    %get3A_20 = arith.constant 0 : index
    %get3A_21 = arith.constant 0 : index
    %get3A_22 = vector.load %arg4[%get3A_20, %get3A_21] : memref<1x2xf32, #tpu.memory_space<vmem>>, vector<1x2xf32>
    %add3A_23 = vector.broadcast %get3A_22 : vector<1x2xf32> to vector<10000x2xf32>
    %add3A_24 = arith.addf %mul3A, %add3A_23 : vector<10000x2xf32>
    %swap3A = arith.constant 0 : index
    %swap3A_25 = arith.constant 0 : index
    %swap3A_26 = vector.load %arg5[%swap3A, %swap3A_25] : memref<10000x2xf32, #tpu.memory_space<vmem>>, vector<10000x2xf32>
    tpu.vector_store %arg5[%swap3A, %swap3A_25], %add3A_24 {strides = array<i32>} : memref<10000x2xf32, #tpu.memory_space<vmem>>, vector<10000x2xf32>,
    return
  }
}

</mosaic_0001>

<sc_bundles>
// kernel: kernel.11.cloned.1.call-start
scs
__scs_entry_jumppad:
0x0: {  	(pc) =	sbr.rel $0x88, $3  }
0x1: {  	(tag) =	ssettag $0x0;
	lr =	simm.s32 $0x1  }
0x2: {  	[smem:$0x3F9B] =	sst lr;
	_ =	strace $0xD0000000  }
0x3: {  	_ = 	snop  }
0x4: {  	_ = 	snop  }
0x5: {  	_ = 	snop  }
0x6: {  	_ = 	snop  }
0x7: {  	_ = 	snop  }
__scs_overlays_trampoline_lowered:
0x8: {  	[smem:$0x3FAA] =	sst s0  }
0x9: {  	[smem:$0x3FAB] =	sst s1  }
0xa: {  	[smem:$0x3FAC] =	sst s2  }
0xb: {  	[smem:$0x3FAD] =	sst s3  }
0xc: {  	[smem:$0x3FAE] =	sst s4  }
0xd: {  	[smem:$0x3FAF] =	sst s5  }
0xe: {  	[smem:$0x3FB0] =	sst s6  }
0xf: {  	[smem:$0x3FB1] =	sst s7  }
0x10: {  	[smem:$0x3FB2] =	sst s8  }
0x11: {  	[smem:$0x3FB3] =	sst s9;
	s0 =	simm.s32 @!p0 $0x0  }
0x12: {  	s1 =	sld [smem:$0x3F99];
	s0 =	simm.s32 @p0 $0x1  }
0x13: {  	[smem:$0x3FB4] =	sst s0;
	s0 =	simm.s32 @!p1 $0x0  }
0x14: {  	s2 =	sld [smem:$0x3F98];
	s0 =	simm.s32 @p1 $0x1  }
0x15: {  	[smem:$0x3FB5] =	sst s0;
	s0 =	simm.s32 @!p2 $0x0  }
0x16: {  	s3 =	sld [smem:$0x3FDB];
	s0 =	simm.s32 @p2 $0x1  }
0x17: {  	s4 =	simm.s32 $0x1BF5;
	[smem:$0x3FB7] =	sst s0  }
0x18: {  	s0 =	sld [smem:$0x3F9A];
	_ =	swait.ge [sflag:s4], $0x0  }
0x19: {  	s7 =	sld [smem:$0x3F9B]  }
0x1a: {  	s8 =	sadd.s32 $0xFFFFE003, lr  }
0x1b: {  	s9 =	sadd.s32 $0xFFFFFEF7, lr;
	s5 =	simm.s32 $0xFFFFFFFF;
	p2 =	slt.u32 s8, $0xFFFFF086  }
0x1c: {  	p1 =	slt.u32 s9, $0xF7A;
	s5 =	simm.s32 @!p2 $0x0  }
0x1d: {  	s5 =	simm.s32 @p1 $0x1;
	p0 =	seq.s32 s7, s2  }
0x1e: {  	s7 =	smul.u32 @!p0 $0xF7A, s2;
	p2 =	seq.s32 @!p0 s5, $0x0  }
0x1f: {  	s9 =	smul.u32 $0xF7A, s1;
	s8 =	simm.s32 @!p0 $0x1BF5;
	p2 =	por !p2, p0  }
0x20: {  	[sflag:s8] =	ssyncset.s32 @!p0 $0xFFFFF086;
	s6 =	sadd.s32 @!p0 s3, s7;
	s7 =	simm.s32 @!p0 $0x108  }
0x21: {  	s3 =	sadd.s32 s3, s9;
	s6 =	sadd.s32 @!p0 $0x88, s6;
	s7 =	simm.s32 @p2 $0x1082  }
0x22: {  	[simem:s7], [sflag:s8] =	dma.local @!p0 [hbm:s6], $0xF7A  }
0x23: {  	s9 =	sor.u32 $0xD0000000, s2;
	s6 =	simm.s32 $0x108;
	_ =	swait.ge @!p0 [sflag:s8], $0x0  }
0x24: {  	s3 =	sadd.s32 $0x88, s3;
	s6 =	simm.s32 @!p1 $0x1082;
	[sflag:s4] =	ssyncset.s32 $0xFFFFF086  }
0x25: {  	[simem:s6], [sflag:s4] =	dma.local [hbm:s3], $0xF7A  }
0x26: {  	[smem:$0x3F9B] =	sst s1;
	(tag) =	ssettag s2;
	_ =	strace s9  }
0x27: {  	s1 =	sld [smem:$0x3FAB]  }
0x28: {  	s2 =	sld [smem:$0x3FAC]  }
0x29: {  	s4 =	sld [smem:$0x3FAE]  }
0x2a: {  	p0 =	seq.s32 s5, $0x0;
	s5 =	sld [smem:$0x3FAF]  }
0x2b: {  	s6 =	sld [smem:$0x3FB0]  }
0x2c: {  	s7 =	sld [smem:$0x3FB1]  }
0x2d: {  	s3 =	simm.s32 $0x108;
	s8 =	sld [smem:$0x3FB2]  }
0x2e: {  	s3 =	simm.s32 @!p0 $0x1082;
	s9 =	sld [smem:$0x3FB3]  }
0x2f: {  	lr =	sadd.s32 s0, s3;
	s0 =	sld [smem:$0x3FAA]  }
0x30: {  	s3 =	sld [smem:$0x3FAD]  }
0x31: {  	[smem:$0x3FB6] =	sst s10  }
0x32: {  	s10 =	sld [smem:$0x3FB4];
	_ =	sdelay $0x3  }
0x33: {  	p0 =	seq.s32 s10, $0x1;
	s10 =	sld [smem:$0x3FB6];
	_ =	sdelay $0x3  }
0x34: {  	[smem:$0x3FB6] =	sst s10  }
0x35: {  	s10 =	sld [smem:$0x3FB5];
	_ =	sdelay $0x3  }
0x36: {  	p1 =	seq.s32 s10, $0x1;
	s10 =	sld [smem:$0x3FB6];
	_ =	sdelay $0x3  }
0x37: {  	[smem:$0x3FB6] =	sst s10  }
0x38: {  	s10 =	sld [smem:$0x3FB7]  }
0x39: {  	_ = 	snop;
	(pc) =	sbr.ind lr, $3  }
0x3a: {  	_ = 	snop  }
0x3b: {  	_ = 	snop  }
0x3c: {  	p2 =	seq.s32 s10, $0x1;
	s10 =	sld [smem:$0x3FB6]  }
0x3d: {  	_ =	shalt  }
0x3e: {  	_ =	shalt  }
0x3f: {  	_ =	shalt  }
0x40: {  	_ =	shalt  }
0x41: {  	_ =	shalt  }
0x42: {  	_ =	shalt  }
0x43: {  	_ =	shalt  }
0x44: {  	_ =	shalt  }
0x45: {  	_ =	shalt  }
0x46: {  	_ =	shalt  }
0x47: {  	_ =	shalt  }
0x48: {  	_ =	shalt  }
0x49: {  	_ =	shalt  }
0x4a: {  	_ =	shalt  }
0x4b: {  	_ =	shalt  }
0x4c: {  	_ =	shalt  }
0x4d: {  	_ =	shalt  }
0x4e: {  	_ =	shalt  }
0x4f: {  	_ =	shalt  }
0x50: {  	_ =	shalt  }
0x51: {  	_ =	shalt  }
0x52: {  	_ =	shalt  }
0x53: {  	_ =	shalt  }
0x54: {  	_ =	shalt  }
0x55: {  	_ =	shalt  }
0x56: {  	_ =	shalt  }
0x57: {  	_ =	shalt  }
0x58: {  	_ =	shalt  }
0x59: {  	_ =	shalt  }
0x5a: {  	_ =	shalt  }
0x5b: {  	_ =	shalt  }
0x5c: {  	_ =	shalt  }
0x5d: {  	_ =	shalt  }
0x5e: {  	_ =	shalt  }
0x5f: {  	_ =	shalt  }
0x60: {  	_ =	shalt  }
0x61: {  	_ =	shalt  }
0x62: {  	_ =	shalt  }
0x63: {  	_ =	shalt  }
0x64: {  	_ =	shalt  }
0x65: {  	_ =	shalt  }
0x66: {  	_ =	shalt  }
0x67: {  	_ =	shalt  }
0x68: {  	_ =	shalt  }
0x69: {  	_ =	shalt  }
0x6a: {  	_ =	shalt  }
0x6b: {  	_ =	shalt  }
0x6c: {  	_ =	shalt  }
0x6d: {  	_ =	shalt  }
0x6e: {  	_ =	shalt  }
0x6f: {  	_ =	shalt  }
0x70: {  	_ =	shalt  }
0x71: {  	_ =	shalt  }
0x72: {  	_ =	shalt  }
0x73: {  	_ =	shalt  }
0x74: {  	_ =	shalt  }
0x75: {  	_ =	shalt  }
0x76: {  	_ =	shalt  }
0x77: {  	_ =	shalt  }
0x78: {  	_ =	shalt  }
0x79: {  	_ =	shalt  }
0x7a: {  	_ =	shalt  }
0x7b: {  	_ =	shalt  }
0x7c: {  	_ =	shalt  }
0x7d: {  	_ =	shalt  }
0x7e: {  	_ =	shalt  }
0x7f: {  	_ =	shalt  }
0x80: {  	_ =	shalt  }
0x81: {  	_ =	shalt  }
0x82: {  	_ =	shalt  }
0x83: {  	_ =	shalt  }
0x84: {  	_ =	shalt  }
0x85: {  	_ =	shalt  }
0x86: {  	_ =	shalt  }
0x87: {  	_ =	shalt  }
.Lfunc_end0:
.L_simem_size_0:
called_computation.1_lowered:
.L_overlay_start_0:
0x88: {  	s2 =	sld [smem:$0x3FD9]  }
0x89: {  	s3 =	sld [smem:$0x3FFE];
	_ =	sdelay $0x1  }
0x8a: {  	s1 =	srdreg.scid  }
0x8b: {  	s0 =	sand.u32 $0x1, s1  }
0x8c: {  	s16 =	sshll.u32 s0, $0xA;
	s2 =	sadd.s32 s3, s2  }
0x8d: {  	s2 =	sadd.s32 s2, s16  }
0x8e: {  	[smem:$0x3FC2] =	sst s2  }
0x8f: {  	_ = 	snop  }
0x90: {  	(tm) =	ssettm $0x1  }
0x91: {  	s17 =	sld [smem:$0x3FFB];
	_ =	sdelay $0x3  }
0x92: {  	_ =	strace s17  }
0x93: {  	s2 =	sld [smem:$0x3FFC];
	_ =	sdelay $0x3  }
0x94: {  	_ =	strace s2  }
0x95: {  	s2 =	sld [smem:$0x3FFD];
	_ =	sdelay $0x3  }
0x96: {  	_ =	strace s2  }
0x97: {  	_ =	strace $0x8FFFFFFF  }
0x98: {  	s18 =	sld [smem:$0x3FDB];
	_ =	sdelay $0x1  }
0x99: {  	s19 =	simm.s32 $_scs_section_size  }
0x9a: {  	s4 =	simm.s32 $_size__tile_overlayer_lowered;
	s5 =	simm.s32 $_tile_overlayer_lowered  }
0x9b: {  	s22 =	simm.s32 $0x1BFF;
	s21 =	sshll.u32 s5, $0x1;
	s2 =	sadd.s32 s19, s18  }
0x9c: {  	s6 =	simm.s32 $0x0;
	s20 =	sshll.u32 s4, $0x1;
	s4 =	sadd.s32 s21, s2  }
0x9d: {  	[timem:s6], [sflag:s22] =	dma.local [hbm:s4], s20  }
0x9e: {  	_ =	swait.ge [sflag:s22], s20  }
0x9f: {  	s3 =	ssub.s32 $0x0, s20;
	[sflag:s22] =	ssyncset.done $0x0  }
0xa0: {  	[sflag:s22] =	ssyncadd.s32 s3;
	_ =	sdelay $0x1  }
0xa1: {  	s23 =	simm.s32 $0x1B8B  }
0xa2: {  	_ =	swait.ge [sflag:s23], $0x1  }
0xa3: {  	[sflag:s23] =	ssyncset.done $0x0  }
0xa4: {  	s25 =	simm.s32 $0x1B8E;
	s24 =	sld [smem:$0x3FFE];
	[sflag:s23] =	ssyncadd.s32 $0xFFFFFFFF  }
0xa5: {  	s26 =	simm.s32 $execute0_lowered;
	[smem:$0x3FD2] =	sst s25  }
0xa6: {  	s4 =	sshll.u32 s26, $0x1;
	_ =	strace $0x80000049;
	[dreg:$0x1] =	wrdreg $0xFFFFFFFF  }
0xa7: {  	s28 =	simm.s32 $_size_execute0_lowered;
	s2 =	sadd.s32 s2, s4;
	[dreg:$0x0] =	wrdreg $0x0  }
0xa8: {  	s4 =	sshll.u32 s28, $0x1;
	[dreg:$0x2] =	wrdreg s2  }
0xa9: {  	[dreg:$0x3] =	wrdreg s4  }
0xaa: {  	[dreg:$0x4] =	wrdreg $0xC0  }
0xab: {  	_ =	task [dreg:s6], $0x5FFFF  }
0xac: {  	[dreg:$0x1] =	wrdreg $0xFFFFFFFF  }
0xad: {  	[dreg:$0x0] =	wrdreg $0x60  }
0xae: {  	[dreg:$0x2] =	wrdreg s24  }
0xaf: {  	[dreg:$0x3] =	wrdreg $0x96500  }
0xb0: {  	[dreg:$0x4] =	wrdreg $0x9  }
0xb1: {  	_ =	task.clear_ibuf [dreg:s6], $0x5FFFF;
	_ =	strace $0x90000049  }
0xb2: {  	s29 =	simm.s32 $0x9;
	_ =	strace $0x8000004B  }
0xb3: {  	_ =	swait.ge [sflag:s29], $0x1  }
0xb4: {  	[sflag:s29] =	ssyncadd.s32 $0xFFFFFFFF  }
0xb5: {  	_ =	strace $0x9000004B  }
0xb6: {  	_ =	sfence  }
0xb7: {  	s30 =	sld [smem:$0x0];
	_ =	sdelay $0x2  }
0xb8: {  	s31 =	sshll.u32 s1, $0xD;
	s1 =	sshrl.u32 s1, $0x2  }
0xb9: {  	s3 =	sand.u32 $0x4000, s31;
	s1 =	sadd.s32 s1, s30  }
0xba: {  	s0 =	sor.u32 s3, s0;
	s1 =	sshll.u32 s1, $0x11  }
0xbb: {  	s0 =	sor.u32 s1, s0  }
0xbc: {  	s0 =	sadd.s32 $0x8F2B, s0  }
0xbd: {  	[sflag:s0] =	ssyncadd.remote.s32 $0x1  }
0xbe: {  	_ =	sfence.sel $0xFFFF  }
0xbf: {  	[dreg:$0x0] =	wrdreg $0xFFFFFFFF;
	(pc) =	sbr.abs _section_cstart, $3  }
0xc0: {  	[dreg:$0x1] =	wrdreg $0xFFFFFFFF  }
0xc1: {  	_ =	task.clear_ibuf [dreg:s6], $0x2FFFF;
	_ =	strace $0x9FFFFFFF  }
0xc2: {  	(tm) =	ssettm $0x7FFFFFFF  }
0xc3: {  	_ =	shalt  }
tec
execute0_lowered:
.L_overlay_start_1:
0x0: {  	(tag) =	ssettag $0x1  }
0x1: {  	s0 =	rddreg [dreg:$0x0]  }
0x2: {  	s2 =	rddreg [dreg:$0x1]  }
0x3: {  	s1 =	srdreg.scid;
	s7 =	stileid.u32;
	s3 =	simm.s32 $0x0  }
0x4: {  	s11 =	simm.s32 $0x9;
	s12 =	simm.s32 $0x2800;
	s13 =	simm.s32 $0x7D  }
0x5: {  	s14 =	simm.s32 $0x5000;
	s16 =	simm.s32 $0x57D0;
	s18 =	simm.s32 $0x5FA0  }
0x6: {  	s19 =	simm.s32 $0x1;
	s21 =	simm.s32 $0x6770;
	s22 =	simm.s32 $0x2  }
0x7: {  	s23 =	simm.s32 $0x5;
	s26 =	simm.s32 $0x3;
	s28 =	simm.s32 $0x6  }
0x8: {  	s31 =	simm.s32 $0x4;
	s10 =	simm.s32 $0x300;
	s1 =	sand.u32 $0x1, s1  }
0x9: {  	s15 =	simm.s32 $0x8;
	s5 =	smul.u32 $0x2710, s7;
	s4 =	sshll.u32 s1, $0x4  }
0xa: {  	[smem:$0x7FF] =	sst s3;
	s6 =	smul.u32 $0x27100, s1;
	s4 =	sor.u32 s7, s4  }
0xb: {  	_ =	strace $0x8000004A;
	s1 =	ssub.s32 $0x2, s1;
	s7 =	smul.u32 $0x500, s4  }
.Ltmp0:
0xc: {  	s8 =	sshrl.u32 s1, $0x1;
	s6 =	sadd.s32 s5, s6;
	(pc) =	sbr.rel .LBB2_1-.Ltmp0, $4  }
0xd: {  	s4 =	sadd.s32 $0xB600, s0;
	s1 =	ssub.s32 s1, s8;
	s5 =	sadd.s32 s5, s2  }
0xe: {  	s6 =	sshrl.u32 s6, $0x3;
	s9 =	smax.u32 s1, $0x1;
	s7 =	sadd.s32 s7, s0  }
0xf: {  	s1 =	simm.s32 $0x2980;
	s0 =	sadd.s32 s6, s0;
	s6 =	sadd.s32 $0x15400, s7  }
0x10: {  	v0 =	vimm.f32 $0.0e+00;
	s7 =	sadd.s32 $0x1600, s7;
	s8 =	sadd.s32 $0x1F400, s0;
	s0 =	simm.s32 $0x7  }
.LBB2_6:
0x11: {  	_ =	swait.ge [sflag:s15], $0x7D0;
	s17 =	stileid.u32  }
0x12: {  	s20 =	sshrl.u32 s5, $0x3;
	s3 =	sadd.s32 $0x1, s3;
	[sflag:s15] =	ssyncset.done $0x0  }
0x13: {  	s17 =	sshll.u32 s17, $0x6;
	p0 =	sne.s32 s3, s9;
	[sflag:s15] =	ssyncadd.s32 $0xFFFFF830  }
.Ltmp1:
0x14: {  	s17 =	sor.u32 $0x1C09, s17;
	[bflag:$0x0] =	sbarrier.arrive $0xFFFF;
	(pc) =	sbr.rel @!p0 .LBB2_7-.Ltmp1, $4  }
0x15: {  	[hbm:s8], [sflag:s17] =	dma.local [spmem:s20], $0x4E2  }
0x16: {  	_ =	swait.ge [sflag:s11], $0x4E2  }
0x17: {  	[sflag:s11] =	ssyncset.done $0x0  }
0x18: {  	[sflag:s11] =	ssyncadd.s32 $0xFFFFFB1E  }
.LBB2_1:
0x19: {  	s17 =	simm.s32 $0x40;
	s20 =	simm.s32 $0x0  }
.LBB2_2:
0x1a: {  	p0 =	sne.s32 s17, $0x9C00;
	[tilespmem:s20+$0x6F40] =	vst v0;
	s20 =	smov.u32 s17;
	s17 =	sadd.s32 $0x40, s17  }
.Ltmp2:
0x1b: {  	(pc) =	sbr.rel @p0 .LBB2_2-.Ltmp2, $2  }
0x1c: {  	_ =	sdelay $0x2  }
0x1d: {  	s20 =	sshra.s32 s20, $0x2  }
0x1e: {  	[tilespmem:s20+$0x6F40] =	vst v0;
	s17 =	simm.s32 $0x6F40  }
0x1f: {  	[spmem:s5] =	stream.linear.scatter [tilespmem:s17], [sflag:$0x9], $0x2710, $0x38;
	[tilespmem:$0xBD60] =	vst v63  }
0x20: {  	_ =	swait.ge [sflag:s11], $0x2710  }
0x21: {  	[sflag:s11] =	ssyncset.done $0x0  }
0x22: {  	s17 =	simm.s32 $0x0;
	[sflag:s11] =	ssyncadd.s32 $0xFFFFD8F0  }
0x23: {  	[tilespmem:s17], [sflag:$0x9] =	stream.linear.gather [hbm4b:s6+s17], $0x2800, $0x38;
	[tilespmem:$0xBD60] =	vst v63  }
0x24: {  	_ =	swait.ge [sflag:s11], $0x2800  }
0x25: {  	[sflag:s11] =	ssyncset.done $0x0  }
0x26: {  	[sflag:s11] =	ssyncadd.s32 $0xFFFFD800  }
0x27: {  	[tilespmem:s12], [sflag:$0x9] =	stream.linear.gather [hbm4b:s7+s17], $0x2800, $0x38;
	[tilespmem:$0xBD60] =	vst v63  }
0x28: {  	_ =	swait.ge [sflag:s11], $0x2800  }
0x29: {  	[sflag:s11] =	ssyncset.done $0x0  }
0x2a: {  	[sflag:s11] =	ssyncadd.s32 $0xFFFFD800  }
0x2b: {  	[bflag:$0x0] =	sbarrier.arrive $0xFFFF  }
0x2c: {  	[tilespmem:s14], [sflag:$0x1] =	stream.indirect.gather [hbm4b:s4+s13], $0x10, s17, s13, $0xb8;
	[tilespmem:$0xBD60] =	vst v63  }
0x2d: {  	s25 =	simm.s32 $0x80  }
0x2e: {  	[tilespmem:s16], [sflag:$0x2] =	stream.indirect.gather [hbm4b:s4+s13], $0x10, s25, s13, $0xb8;
	[tilespmem:$0xBD60] =	vst v63  }
0x2f: {  	s29 =	simm.s32 $0x100  }
0x30: {  	[tilespmem:s18], [sflag:$0x3] =	stream.indirect.gather [hbm4b:s4+s13], $0x10, s29, s13, $0xb8;
	[tilespmem:$0xBD60] =	vst v63  }
0x31: {  	_ =	swait.ge [sflag:s19], $0x7D0  }
0x32: {  	[sflag:s19] =	ssyncset.done $0x0  }
0x33: {  	[sflag:s19] =	ssyncadd.s32 $0xFFFFF830  }
0x34: {  	[spmem:s2] =	stream.indirect.scatter.add.f32 [tilespmem:s14], [sflag:$0x5], $0x10, s12, s13, $0xb8;
	[tilespmem:$0xBD60] =	vst v63  }
0x35: {  	s30 =	simm.s32 $0x180  }
0x36: {  	[tilespmem:s21], [sflag:$0x4] =	stream.indirect.gather [hbm4b:s4+s13], $0x10, s30, s13, $0xb8;
	[tilespmem:$0xBD60] =	vst v63  }
0x37: {  	_ =	swait.ge [sflag:s22], $0x7D0  }
0x38: {  	[sflag:s22] =	ssyncset.done $0x0  }
0x39: {  	[sflag:s22] =	ssyncadd.s32 $0xFFFFF830  }
0x3a: {  	_ =	swait.ge [sflag:s23], $0x7D0  }
0x3b: {  	[sflag:s23] =	ssyncset.done $0x0  }
0x3c: {  	s24 =	simm.s32 $0x2880;
	[sflag:s23] =	ssyncadd.s32 $0xFFFFF830  }
0x3d: {  	[spmem:s2] =	stream.indirect.scatter.add.f32 [tilespmem:s16], [sflag:$0x6], $0x10, s24, s13, $0xb8;
	[tilespmem:$0xBD60] =	vst v63  }
0x3e: {  	s25 =	simm.s32 $0x200  }
0x3f: {  	[tilespmem:s14], [sflag:$0x1] =	stream.indirect.gather [hbm4b:s4+s13], $0x10, s25, s13, $0xb8;
	[tilespmem:$0xBD60] =	vst v63  }
0x40: {  	_ =	swait.ge [sflag:s26], $0x7D0  }
0x41: {  	[sflag:s26] =	ssyncset.done $0x0  }
0x42: {  	[sflag:s26] =	ssyncadd.s32 $0xFFFFF830  }
0x43: {  	_ =	swait.ge [sflag:s28], $0x7D0  }
0x44: {  	[sflag:s28] =	ssyncset.done $0x0  }
0x45: {  	s29 =	simm.s32 $0x2900;
	[sflag:s28] =	ssyncadd.s32 $0xFFFFF830  }
0x46: {  	[spmem:s2] =	stream.indirect.scatter.add.f32 [tilespmem:s18], [sflag:$0x7], $0x10, s29, s13, $0xb8;
	[tilespmem:$0xBD60] =	vst v63  }
0x47: {  	s30 =	simm.s32 $0x280  }
0x48: {  	[tilespmem:s16], [sflag:$0x2] =	stream.indirect.gather [hbm4b:s4+s13], $0x10, s30, s13, $0xb8;
	[tilespmem:$0xBD60] =	vst v63  }
0x49: {  	_ =	swait.ge [sflag:s31], $0x7D0  }
0x4a: {  	[sflag:s31] =	ssyncset.done $0x0  }
0x4b: {  	[sflag:s31] =	ssyncadd.s32 $0xFFFFF830  }
0x4c: {  	_ =	swait.ge [sflag:s0], $0x7D0  }
0x4d: {  	[sflag:s0] =	ssyncset.done $0x0  }
0x4e: {  	[sflag:s0] =	ssyncadd.s32 $0xFFFFF830  }
0x4f: {  	[spmem:s2] =	stream.indirect.scatter.add.f32 [tilespmem:s21], [sflag:$0x8], $0x10, s1, s13, $0xb8;
	[tilespmem:$0xBD60] =	vst v63  }
0x50: {  	_ = 	snop  }
0x51: {  	[tilespmem:s18], [sflag:$0x3] =	stream.indirect.gather [hbm4b:s4+s13], $0x10, s10, s13, $0xb8;
	[tilespmem:$0xBD60] =	vst v63  }
.LBB2_4:
0x52: {  	_ =	swait.ge [sflag:s19], $0x7D0  }
0x53: {  	[sflag:s19] =	ssyncset.done $0x0  }
0x54: {  	[sflag:s19] =	ssyncadd.s32 $0xFFFFF830  }
0x55: {  	_ =	swait.ge [sflag:s15], $0x7D0  }
0x56: {  	s20 =	sshra.s32 s17, $0x2;
	[sflag:s15] =	ssyncset.done $0x0  }
0x57: {  	s24 =	sadd.s32 $0x2A00, s20;
	[sflag:s15] =	ssyncadd.s32 $0xFFFFF830  }
0x58: {  	[spmem:s2] =	stream.indirect.scatter.add.f32 [tilespmem:s14], [sflag:$0x5], $0x10, s24, s13, $0xb8;
	[tilespmem:$0xBD60] =	vst v63  }
0x59: {  	s25 =	sadd.s32 $0x380, s20  }
0x5a: {  	[tilespmem:s21], [sflag:$0x4] =	stream.indirect.gather [hbm4b:s4+s13], $0x10, s25, s13, $0xb8;
	[tilespmem:$0xBD60] =	vst v63  }
0x5b: {  	_ =	swait.ge [sflag:s22], $0x7D0  }
0x5c: {  	[sflag:s22] =	ssyncset.done $0x0  }
0x5d: {  	[sflag:s22] =	ssyncadd.s32 $0xFFFFF830  }
0x5e: {  	_ =	swait.ge [sflag:s23], $0x7D0  }
0x5f: {  	p0 =	seq.s32 s17, $0x9000;
	[sflag:s23] =	ssyncset.done $0x0  }
0x60: {  	s29 =	sadd.s32 $0x2A80, s20;
	s24 =	simm.s32 @p0 $0x3;
	[sflag:s23] =	ssyncadd.s32 $0xFFFFF830  }
0x61: {  	[spmem:s2] =	stream.indirect.scatter.add.f32 [tilespmem:s16], [sflag:$0x6], $0x10, s29, s13, $0xb8;
	[tilespmem:$0xBD60] =	vst v63  }
0x62: {  	_ =	swait.ge @p0 [sflag:s24], $0x7D0  }
0x63: {  	[sflag:s24] =	ssyncset.done @p0 $0x0  }
0x64: {  	[sflag:s24] =	ssyncadd.s32 @p0 $0xFFFFF830;
	s24 =	simm.s32 @p0 $0x6  }
0x65: {  	_ =	swait.ge @p0 [sflag:s24], $0x7D0  }
0x66: {  	[sflag:s24] =	ssyncset.done @p0 $0x0  }
0x67: {  	[sflag:s24] =	ssyncadd.s32 @p0 $0xFFFFF830;
	s24 =	sshra.s32 @p0 s17, $0x2  }
0x68: {  	s25 =	simm.s32 @p0 $0x7D;
	s29 =	simm.s32 @p0 $0x5FA0;
	s24 =	sadd.s32 @p0 $0x2B00, s24  }
0x69: {  	[spmem:s2] =	stream.indirect.scatter.add.f32 @p0 [tilespmem:s29], [sflag:$0x7], $0x10, s24, s25, $0xb8;
	[tilespmem:$0xBD60] =	vst v63  }
0x6a: {  	s24 =	sshra.s32 @!p0 s17, $0x2  }
0x6b: {  	s30 =	simm.s32 @!p0 $0x5000;
	s29 =	simm.s32 @!p0 $0x7D;
	s25 =	sadd.s32 @!p0 $0x400, s24  }
0x6c: {  	[tilespmem:s30], [sflag:$0x1] =	stream.indirect.gather @!p0 [hbm4b:s4+s29], $0x10, s25, s29, $0xb8;
	[tilespmem:$0xBD60] =	vst v63  }
0x6d: {  	s25 =	simm.s32 @!p0 $0x3  }
0x6e: {  	_ =	swait.ge @!p0 [sflag:s25], $0x7D0  }
0x6f: {  	[sflag:s25] =	ssyncset.done @!p0 $0x0  }
0x70: {  	[sflag:s25] =	ssyncadd.s32 @!p0 $0xFFFFF830;
	s25 =	simm.s32 @!p0 $0x6  }
0x71: {  	_ =	swait.ge @!p0 [sflag:s25], $0x7D0  }
0x72: {  	[sflag:s25] =	ssyncset.done @!p0 $0x0  }
0x73: {  	s30 =	simm.s32 @!p0 $0x5FA0;
	[sflag:s25] =	ssyncadd.s32 @!p0 $0xFFFFF830;
	s25 =	sadd.s32 @!p0 $0x2B00, s24  }
0x74: {  	[spmem:s2] =	stream.indirect.scatter.add.f32 @!p0 [tilespmem:s30], [sflag:$0x7], $0x10, s25, s29, $0xb8;
	[tilespmem:$0xBD60] =	vst v63  }
0x75: {  	s24 =	sadd.s32 @!p0 $0x480, s24;
	s25 =	simm.s32 @!p0 $0x57D0  }
0x76: {  	[tilespmem:s25], [sflag:$0x2] =	stream.indirect.gather @!p0 [hbm4b:s4+s29], $0x10, s24, s29, $0xb8;
	[tilespmem:$0xBD60] =	vst v63  }
0x77: {  	_ =	swait.ge [sflag:s31], $0x7D0  }
0x78: {  	[sflag:s31] =	ssyncset.done $0x0  }
.Ltmp3:
0x79: {  	[sflag:s31] =	ssyncadd.s32 $0xFFFFF830;
	(pc) =	sbr.rel @p0 .LBB2_6-.Ltmp3, $4  }
0x7a: {  	_ =	swait.ge [sflag:s0], $0x7D0  }
0x7b: {  	[sflag:s0] =	ssyncset.done $0x0  }
0x7c: {  	s30 =	sadd.s32 $0x2B80, s20;
	[sflag:s0] =	ssyncadd.s32 $0xFFFFF830  }
0x7d: {  	[spmem:s2] =	stream.indirect.scatter.add.f32 [tilespmem:s21], [sflag:$0x8], $0x10, s30, s13, $0xb8;
	[tilespmem:$0xBD60] =	vst v63  }
.Ltmp4:
0x7e: {  	(pc) =	sbr.rel .LBB2_4-.Ltmp4, $3  }
0x7f: {  	_ =	sdelay $0x1  }
0x80: {  	s20 =	sadd.s32 $0x500, s20;
	s17 =	sadd.s32 $0x800, s17  }
0x81: {  	[tilespmem:s18], [sflag:$0x3] =	stream.indirect.gather [hbm4b:s4+s13], $0x10, s20, s13, $0xb8;
	[tilespmem:$0xBD60] =	vst v63  }
.LBB2_7:
0x82: {  	_ =	sfence.sel $0x180000  }
0x83: {  	[bflag:$0x0] =	sbarrier.arrive $0xFFFF  }
0x84: {  	_ =	strace $0x9000004A  }
0x85: {  	s0 =	stileid.u32;
	[bflag:$0x2] =	sbarrier.arrive $0xFFFF  }
0x86: {  	p0 =	sne.s32 s0, $0x0;
	s0 =	rddreg [dreg:$0x2]  }
0x87: {  	s0 =	sadd.s32 @!p0 $0x100000, s0  }
0x88: {  	[sflag:s0] =	ssyncadd.tile.s32 @!p0 $0x1;
	_ =	shalt  }
.Lfunc_end2:
_tile_overlayer_lowered:
.L_overlay_start_2:
0x89: {  	(tag) =	ssettag $0x2  }
0x8a: {  	s0 =	rddreg [dreg:$0x0];
	s2 =	stileid.u32  }
0x8b: {  	s1 =	rddreg [dreg:$0x1];
	p0 =	sne.s32 s2, $0x0  }
0x8c: {  	s3 =	rddreg [dreg:$0x2];
	[bflag:$0x3] =	sbarrier.arrive $0xFFFF;
	s2 =	simm.s32 @!p0 $0x1C09  }
0x8d: {  	[timem:s3], [sflag:s2] =	dma.local @!p0 [hbm:s0], s1  }
0x8e: {  	s0 =	simm.s32 @!p0 $0x9  }
0x8f: {  	_ =	swait.ge @!p0 [sflag:s0], s1  }
0x90: {  	s1 =	ssub.s32 @!p0 $0x0, s1;
	[sflag:s0] =	ssyncset.done @!p0 $0x0  }
0x91: {  	[sflag:s0] =	ssyncadd.s32 @!p0 s1  }
0x92: {  	[bflag:$0x3] =	sbarrier.arrive $0xFFFF  }
0x93: {  	_ =	shalt  }

// kernel: kernel.14.cloned.1.call-start
scs
__scs_entry_jumppad:
0x0: {  	(pc) =	sbr.rel $0x88, $3  }
0x1: {  	(tag) =	ssettag $0x0;
	lr =	simm.s32 $0x1  }
0x2: {  	[smem:$0x3F9B] =	sst lr;
	_ =	strace $0xD0000000  }
0x3: {  	_ = 	snop  }
0x4: {  	_ = 	snop  }
0x5: {  	_ = 	snop  }
0x6: {  	_ = 	snop  }
0x7: {  	_ = 	snop  }
__scs_overlays_trampoline_lowered:
0x8: {  	[smem:$0x3FAA] =	sst s0  }
0x9: {  	[smem:$0x3FAB] =	sst s1  }
0xa: {  	[smem:$0x3FAC] =	sst s2  }
0xb: {  	[smem:$0x3FAD] =	sst s3  }
0xc: {  	[smem:$0x3FAE] =	sst s4  }
0xd: {  	[smem:$0x3FAF] =	sst s5  }
0xe: {  	[smem:$0x3FB0] =	sst s6  }
0xf: {  	[smem:$0x3FB1] =	sst s7  }
0x10: {  	[smem:$0x3FB2] =	sst s8  }
0x11: {  	[smem:$0x3FB3] =	sst s9;
	s0 =	simm.s32 @!p0 $0x0  }
0x12: {  	s1 =	sld [smem:$0x3F99];
	s0 =	simm.s32 @p0 $0x1  }
0x13: {  	[smem:$0x3FB4] =	sst s0;
	s0 =	simm.s32 @!p1 $0x0  }
0x14: {  	s2 =	sld [smem:$0x3F98];
	s0 =	simm.s32 @p1 $0x1  }
0x15: {  	[smem:$0x3FB5] =	sst s0;
	s0 =	simm.s32 @!p2 $0x0  }
0x16: {  	s3 =	sld [smem:$0x3FDB];
	s0 =	simm.s32 @p2 $0x1  }
0x17: {  	s4 =	simm.s32 $0x1BF5;
	[smem:$0x3FB7] =	sst s0  }
0x18: {  	s0 =	sld [smem:$0x3F9A];
	_ =	swait.ge [sflag:s4], $0x0  }
0x19: {  	s7 =	sld [smem:$0x3F9B]  }
0x1a: {  	s8 =	sadd.s32 $0xFFFFE003, lr  }
0x1b: {  	s9 =	sadd.s32 $0xFFFFFEF7, lr;
	s5 =	simm.s32 $0xFFFFFFFF;
	p2 =	slt.u32 s8, $0xFFFFF086  }
0x1c: {  	p1 =	slt.u32 s9, $0xF7A;
	s5 =	simm.s32 @!p2 $0x0  }
0x1d: {  	s5 =	simm.s32 @p1 $0x1;
	p0 =	seq.s32 s7, s2  }
0x1e: {  	s7 =	smul.u32 @!p0 $0xF7A, s2;
	p2 =	seq.s32 @!p0 s5, $0x0  }
0x1f: {  	s9 =	smul.u32 $0xF7A, s1;
	s8 =	simm.s32 @!p0 $0x1BF5;
	p2 =	por !p2, p0  }
0x20: {  	[sflag:s8] =	ssyncset.s32 @!p0 $0xFFFFF086;
	s6 =	sadd.s32 @!p0 s3, s7;
	s7 =	simm.s32 @!p0 $0x108  }
0x21: {  	s3 =	sadd.s32 s3, s9;
	s6 =	sadd.s32 @!p0 $0x88, s6;
	s7 =	simm.s32 @p2 $0x1082  }
0x22: {  	[simem:s7], [sflag:s8] =	dma.local @!p0 [hbm:s6], $0xF7A  }
0x23: {  	s9 =	sor.u32 $0xD0000000, s2;
	s6 =	simm.s32 $0x108;
	_ =	swait.ge @!p0 [sflag:s8], $0x0  }
0x24: {  	s3 =	sadd.s32 $0x88, s3;
	s6 =	simm.s32 @!p1 $0x1082;
	[sflag:s4] =	ssyncset.s32 $0xFFFFF086  }
0x25: {  	[simem:s6], [sflag:s4] =	dma.local [hbm:s3], $0xF7A  }
0x26: {  	[smem:$0x3F9B] =	sst s1;
	(tag) =	ssettag s2;
	_ =	strace s9  }
0x27: {  	s1 =	sld [smem:$0x3FAB]  }
0x28: {  	s2 =	sld [smem:$0x3FAC]  }
0x29: {  	s4 =	sld [smem:$0x3FAE]  }
0x2a: {  	p0 =	seq.s32 s5, $0x0;
	s5 =	sld [smem:$0x3FAF]  }
0x2b: {  	s6 =	sld [smem:$0x3FB0]  }
0x2c: {  	s7 =	sld [smem:$0x3FB1]  }
0x2d: {  	s3 =	simm.s32 $0x108;
	s8 =	sld [smem:$0x3FB2]  }
0x2e: {  	s3 =	simm.s32 @!p0 $0x1082;
	s9 =	sld [smem:$0x3FB3]  }
0x2f: {  	lr =	sadd.s32 s0, s3;
	s0 =	sld [smem:$0x3FAA]  }
0x30: {  	s3 =	sld [smem:$0x3FAD]  }
0x31: {  	[smem:$0x3FB6] =	sst s10  }
0x32: {  	s10 =	sld [smem:$0x3FB4];
	_ =	sdelay $0x3  }
0x33: {  	p0 =	seq.s32 s10, $0x1;
	s10 =	sld [smem:$0x3FB6];
	_ =	sdelay $0x3  }
0x34: {  	[smem:$0x3FB6] =	sst s10  }
0x35: {  	s10 =	sld [smem:$0x3FB5];
	_ =	sdelay $0x3  }
0x36: {  	p1 =	seq.s32 s10, $0x1;
	s10 =	sld [smem:$0x3FB6];
	_ =	sdelay $0x3  }
0x37: {  	[smem:$0x3FB6] =	sst s10  }
0x38: {  	s10 =	sld [smem:$0x3FB7]  }
0x39: {  	_ = 	snop;
	(pc) =	sbr.ind lr, $3  }
0x3a: {  	_ = 	snop  }
0x3b: {  	_ = 	snop  }
0x3c: {  	p2 =	seq.s32 s10, $0x1;
	s10 =	sld [smem:$0x3FB6]  }
0x3d: {  	_ =	shalt  }
0x3e: {  	_ =	shalt  }
0x3f: {  	_ =	shalt  }
0x40: {  	_ =	shalt  }
0x41: {  	_ =	shalt  }
0x42: {  	_ =	shalt  }
0x43: {  	_ =	shalt  }
0x44: {  	_ =	shalt  }
0x45: {  	_ =	shalt  }
0x46: {  	_ =	shalt  }
0x47: {  	_ =	shalt  }
0x48: {  	_ =	shalt  }
0x49: {  	_ =	shalt  }
0x4a: {  	_ =	shalt  }
0x4b: {  	_ =	shalt  }
0x4c: {  	_ =	shalt  }
0x4d: {  	_ =	shalt  }
0x4e: {  	_ =	shalt  }
0x4f: {  	_ =	shalt  }
0x50: {  	_ =	shalt  }
0x51: {  	_ =	shalt  }
0x52: {  	_ =	shalt  }
0x53: {  	_ =	shalt  }
0x54: {  	_ =	shalt  }
0x55: {  	_ =	shalt  }
0x56: {  	_ =	shalt  }
0x57: {  	_ =	shalt  }
0x58: {  	_ =	shalt  }
0x59: {  	_ =	shalt  }
0x5a: {  	_ =	shalt  }
0x5b: {  	_ =	shalt  }
0x5c: {  	_ =	shalt  }
0x5d: {  	_ =	shalt  }
0x5e: {  	_ =	shalt  }
0x5f: {  	_ =	shalt  }
0x60: {  	_ =	shalt  }
0x61: {  	_ =	shalt  }
0x62: {  	_ =	shalt  }
0x63: {  	_ =	shalt  }
0x64: {  	_ =	shalt  }
0x65: {  	_ =	shalt  }
0x66: {  	_ =	shalt  }
0x67: {  	_ =	shalt  }
0x68: {  	_ =	shalt  }
0x69: {  	_ =	shalt  }
0x6a: {  	_ =	shalt  }
0x6b: {  	_ =	shalt  }
0x6c: {  	_ =	shalt  }
0x6d: {  	_ =	shalt  }
0x6e: {  	_ =	shalt  }
0x6f: {  	_ =	shalt  }
0x70: {  	_ =	shalt  }
0x71: {  	_ =	shalt  }
0x72: {  	_ =	shalt  }
0x73: {  	_ =	shalt  }
0x74: {  	_ =	shalt  }
0x75: {  	_ =	shalt  }
0x76: {  	_ =	shalt  }
0x77: {  	_ =	shalt  }
0x78: {  	_ =	shalt  }
0x79: {  	_ =	shalt  }
0x7a: {  	_ =	shalt  }
0x7b: {  	_ =	shalt  }
0x7c: {  	_ =	shalt  }
0x7d: {  	_ =	shalt  }
0x7e: {  	_ =	shalt  }
0x7f: {  	_ =	shalt  }
0x80: {  	_ =	shalt  }
0x81: {  	_ =	shalt  }
0x82: {  	_ =	shalt  }
0x83: {  	_ =	shalt  }
0x84: {  	_ =	shalt  }
0x85: {  	_ =	shalt  }
0x86: {  	_ =	shalt  }
0x87: {  	_ =	shalt  }
.Lfunc_end0:
.L_simem_size_0:
called_computation.2_lowered:
.L_overlay_start_0:
0x88: {  	s2 =	sld [smem:$0x3FD9]  }
0x89: {  	s3 =	sld [smem:$0x3FFE];
	_ =	sdelay $0x1  }
0x8a: {  	s1 =	srdreg.scid  }
0x8b: {  	s0 =	sand.u32 $0x1, s1  }
0x8c: {  	s16 =	sshll.u32 s0, $0xA;
	s2 =	sadd.s32 s3, s2  }
0x8d: {  	s2 =	sadd.s32 s2, s16  }
0x8e: {  	[smem:$0x3FC2] =	sst s2  }
0x8f: {  	_ = 	snop  }
0x90: {  	(tm) =	ssettm $0x1  }
0x91: {  	s17 =	sld [smem:$0x3FFB];
	_ =	sdelay $0x3  }
0x92: {  	_ =	strace s17  }
0x93: {  	s2 =	sld [smem:$0x3FFC];
	_ =	sdelay $0x3  }
0x94: {  	_ =	strace s2  }
0x95: {  	s2 =	sld [smem:$0x3FFD];
	_ =	sdelay $0x3  }
0x96: {  	_ =	strace s2  }
0x97: {  	_ =	strace $0x8FFFFFFF  }
0x98: {  	s18 =	sld [smem:$0x3FDB];
	_ =	sdelay $0x1  }
0x99: {  	s19 =	simm.s32 $_scs_section_size  }
0x9a: {  	s4 =	simm.s32 $_size__tile_overlayer_lowered;
	s5 =	simm.s32 $_tile_overlayer_lowered  }
0x9b: {  	s22 =	simm.s32 $0x1BFF;
	s21 =	sshll.u32 s5, $0x1;
	s2 =	sadd.s32 s19, s18  }
0x9c: {  	s6 =	simm.s32 $0x0;
	s20 =	sshll.u32 s4, $0x1;
	s4 =	sadd.s32 s21, s2  }
0x9d: {  	[timem:s6], [sflag:s22] =	dma.local [hbm:s4], s20  }
0x9e: {  	_ =	swait.ge [sflag:s22], s20  }
0x9f: {  	s3 =	ssub.s32 $0x0, s20;
	[sflag:s22] =	ssyncset.done $0x0  }
0xa0: {  	[sflag:s22] =	ssyncadd.s32 s3;
	_ =	sdelay $0x1  }
0xa1: {  	s23 =	simm.s32 $0x1B8B  }
0xa2: {  	_ =	swait.ge [sflag:s23], $0x1  }
0xa3: {  	[sflag:s23] =	ssyncset.done $0x0  }
0xa4: {  	s25 =	simm.s32 $0x1B8E;
	s24 =	sld [smem:$0x3FFE];
	[sflag:s23] =	ssyncadd.s32 $0xFFFFFFFF  }
0xa5: {  	s26 =	simm.s32 $execute0_lowered;
	[smem:$0x3FD2] =	sst s25  }
0xa6: {  	s4 =	sshll.u32 s26, $0x1;
	_ =	strace $0x8000004C;
	[dreg:$0x1] =	wrdreg $0xFFFFFFFF  }
0xa7: {  	s28 =	simm.s32 $_size_execute0_lowered;
	s2 =	sadd.s32 s2, s4;
	[dreg:$0x0] =	wrdreg $0x0  }
0xa8: {  	s4 =	sshll.u32 s28, $0x1;
	[dreg:$0x2] =	wrdreg s2  }
0xa9: {  	[dreg:$0x3] =	wrdreg s4  }
0xaa: {  	[dreg:$0x4] =	wrdreg $0xC0  }
0xab: {  	_ =	task [dreg:s6], $0x5FFFF  }
0xac: {  	[dreg:$0x1] =	wrdreg $0xFFFFFFFF  }
0xad: {  	[dreg:$0x0] =	wrdreg $0x60  }
0xae: {  	[dreg:$0x2] =	wrdreg s24  }
0xaf: {  	[dreg:$0x3] =	wrdreg $0x96500  }
0xb0: {  	[dreg:$0x4] =	wrdreg $0x9  }
0xb1: {  	_ =	task.clear_ibuf [dreg:s6], $0x5FFFF;
	_ =	strace $0x9000004C  }
0xb2: {  	s29 =	simm.s32 $0x9;
	_ =	strace $0x8000004E  }
0xb3: {  	_ =	swait.ge [sflag:s29], $0x1  }
0xb4: {  	[sflag:s29] =	ssyncadd.s32 $0xFFFFFFFF  }
0xb5: {  	_ =	strace $0x9000004E  }
0xb6: {  	_ =	sfence  }
0xb7: {  	s30 =	sld [smem:$0x0];
	_ =	sdelay $0x2  }
0xb8: {  	s31 =	sshll.u32 s1, $0xD;
	s1 =	sshrl.u32 s1, $0x2  }
0xb9: {  	s3 =	sand.u32 $0x4000, s31;
	s1 =	sadd.s32 s1, s30  }
0xba: {  	s0 =	sor.u32 s3, s0;
	s1 =	sshll.u32 s1, $0x11  }
0xbb: {  	s0 =	sor.u32 s1, s0  }
0xbc: {  	s0 =	sadd.s32 $0x8F2B, s0  }
0xbd: {  	[sflag:s0] =	ssyncadd.remote.s32 $0x1  }
0xbe: {  	_ =	sfence.sel $0xFFFF  }
0xbf: {  	[dreg:$0x0] =	wrdreg $0xFFFFFFFF;
	(pc) =	sbr.abs _section_cstart, $3  }
0xc0: {  	[dreg:$0x1] =	wrdreg $0xFFFFFFFF  }
0xc1: {  	_ =	task.clear_ibuf [dreg:s6], $0x2FFFF;
	_ =	strace $0x9FFFFFFF  }
0xc2: {  	(tm) =	ssettm $0x7FFFFFFF  }
0xc3: {  	_ =	shalt  }
tec
execute0_lowered:
.L_overlay_start_1:
0x0: {  	(tag) =	ssettag $0x1  }
0x1: {  	s0 =	rddreg [dreg:$0x0]  }
0x2: {  	s2 =	rddreg [dreg:$0x1]  }
0x3: {  	s1 =	srdreg.scid;
	s7 =	stileid.u32;
	s3 =	simm.s32 $0x0  }
0x4: {  	s11 =	simm.s32 $0x9;
	s12 =	simm.s32 $0x2800;
	s13 =	simm.s32 $0x7D  }
0x5: {  	s14 =	simm.s32 $0x5000;
	s16 =	simm.s32 $0x57D0;
	s18 =	simm.s32 $0x5FA0  }
0x6: {  	s19 =	simm.s32 $0x1;
	s21 =	simm.s32 $0x6770;
	s22 =	simm.s32 $0x2  }
0x7: {  	s23 =	simm.s32 $0x5;
	s26 =	simm.s32 $0x3;
	s28 =	simm.s32 $0x6  }
0x8: {  	s31 =	simm.s32 $0x4;
	s10 =	simm.s32 $0x300;
	s1 =	sand.u32 $0x1, s1  }
0x9: {  	s15 =	simm.s32 $0x8;
	s5 =	smul.u32 $0x2710, s7;
	s4 =	sshll.u32 s1, $0x4  }
0xa: {  	[smem:$0x7FF] =	sst s3;
	s6 =	smul.u32 $0x27100, s1;
	s4 =	sor.u32 s7, s4  }
0xb: {  	_ =	strace $0x8000004D;
	s1 =	ssub.s32 $0x2, s1;
	s7 =	smul.u32 $0x500, s4  }
.Ltmp0:
0xc: {  	s8 =	sshrl.u32 s1, $0x1;
	s6 =	sadd.s32 s5, s6;
	(pc) =	sbr.rel .LBB2_1-.Ltmp0, $4  }
0xd: {  	s4 =	sadd.s32 $0xB600, s0;
	s1 =	ssub.s32 s1, s8;
	s5 =	sadd.s32 s5, s2  }
0xe: {  	s6 =	sshrl.u32 s6, $0x3;
	s9 =	smax.u32 s1, $0x1;
	s7 =	sadd.s32 s7, s0  }
0xf: {  	s1 =	simm.s32 $0x2980;
	s0 =	sadd.s32 s6, s0;
	s6 =	sadd.s32 $0x15400, s7  }
0x10: {  	v0 =	vimm.f32 $0.0e+00;
	s7 =	sadd.s32 $0x1600, s7;
	s8 =	sadd.s32 $0x1F400, s0;
	s0 =	simm.s32 $0x7  }
.LBB2_6:
0x11: {  	_ =	swait.ge [sflag:s15], $0x7D0;
	s17 =	stileid.u32  }
0x12: {  	s20 =	sshrl.u32 s5, $0x3;
	s3 =	sadd.s32 $0x1, s3;
	[sflag:s15] =	ssyncset.done $0x0  }
0x13: {  	s17 =	sshll.u32 s17, $0x6;
	p0 =	sne.s32 s3, s9;
	[sflag:s15] =	ssyncadd.s32 $0xFFFFF830  }
.Ltmp1:
0x14: {  	s17 =	sor.u32 $0x1C09, s17;
	[bflag:$0x0] =	sbarrier.arrive $0xFFFF;
	(pc) =	sbr.rel @!p0 .LBB2_7-.Ltmp1, $4  }
0x15: {  	[hbm:s8], [sflag:s17] =	dma.local [spmem:s20], $0x4E2  }
0x16: {  	_ =	swait.ge [sflag:s11], $0x4E2  }
0x17: {  	[sflag:s11] =	ssyncset.done $0x0  }
0x18: {  	[sflag:s11] =	ssyncadd.s32 $0xFFFFFB1E  }
.LBB2_1:
0x19: {  	s17 =	simm.s32 $0x40;
	s20 =	simm.s32 $0x0  }
.LBB2_2:
0x1a: {  	p0 =	sne.s32 s17, $0x9C00;
	[tilespmem:s20+$0x6F40] =	vst v0;
	s20 =	smov.u32 s17;
	s17 =	sadd.s32 $0x40, s17  }
.Ltmp2:
0x1b: {  	(pc) =	sbr.rel @p0 .LBB2_2-.Ltmp2, $2  }
0x1c: {  	_ =	sdelay $0x2  }
0x1d: {  	s20 =	sshra.s32 s20, $0x2  }
0x1e: {  	[tilespmem:s20+$0x6F40] =	vst v0;
	s17 =	simm.s32 $0x6F40  }
0x1f: {  	[spmem:s5] =	stream.linear.scatter [tilespmem:s17], [sflag:$0x9], $0x2710, $0x38;
	[tilespmem:$0xBD60] =	vst v63  }
0x20: {  	_ =	swait.ge [sflag:s11], $0x2710  }
0x21: {  	[sflag:s11] =	ssyncset.done $0x0  }
0x22: {  	s17 =	simm.s32 $0x0;
	[sflag:s11] =	ssyncadd.s32 $0xFFFFD8F0  }
0x23: {  	[tilespmem:s17], [sflag:$0x9] =	stream.linear.gather [hbm4b:s6+s17], $0x2800, $0x38;
	[tilespmem:$0xBD60] =	vst v63  }
0x24: {  	_ =	swait.ge [sflag:s11], $0x2800  }
0x25: {  	[sflag:s11] =	ssyncset.done $0x0  }
0x26: {  	[sflag:s11] =	ssyncadd.s32 $0xFFFFD800  }
0x27: {  	[tilespmem:s12], [sflag:$0x9] =	stream.linear.gather [hbm4b:s7+s17], $0x2800, $0x38;
	[tilespmem:$0xBD60] =	vst v63  }
0x28: {  	_ =	swait.ge [sflag:s11], $0x2800  }
0x29: {  	[sflag:s11] =	ssyncset.done $0x0  }
0x2a: {  	[sflag:s11] =	ssyncadd.s32 $0xFFFFD800  }
0x2b: {  	[bflag:$0x0] =	sbarrier.arrive $0xFFFF  }
0x2c: {  	[tilespmem:s14], [sflag:$0x1] =	stream.indirect.gather [hbm4b:s4+s13], $0x10, s17, s13, $0xb8;
	[tilespmem:$0xBD60] =	vst v63  }
0x2d: {  	s25 =	simm.s32 $0x80  }
0x2e: {  	[tilespmem:s16], [sflag:$0x2] =	stream.indirect.gather [hbm4b:s4+s13], $0x10, s25, s13, $0xb8;
	[tilespmem:$0xBD60] =	vst v63  }
0x2f: {  	s29 =	simm.s32 $0x100  }
0x30: {  	[tilespmem:s18], [sflag:$0x3] =	stream.indirect.gather [hbm4b:s4+s13], $0x10, s29, s13, $0xb8;
	[tilespmem:$0xBD60] =	vst v63  }
0x31: {  	_ =	swait.ge [sflag:s19], $0x7D0  }
0x32: {  	[sflag:s19] =	ssyncset.done $0x0  }
0x33: {  	[sflag:s19] =	ssyncadd.s32 $0xFFFFF830  }
0x34: {  	[spmem:s2] =	stream.indirect.scatter.add.f32 [tilespmem:s14], [sflag:$0x5], $0x10, s12, s13, $0xb8;
	[tilespmem:$0xBD60] =	vst v63  }
0x35: {  	s30 =	simm.s32 $0x180  }
0x36: {  	[tilespmem:s21], [sflag:$0x4] =	stream.indirect.gather [hbm4b:s4+s13], $0x10, s30, s13, $0xb8;
	[tilespmem:$0xBD60] =	vst v63  }
0x37: {  	_ =	swait.ge [sflag:s22], $0x7D0  }
0x38: {  	[sflag:s22] =	ssyncset.done $0x0  }
0x39: {  	[sflag:s22] =	ssyncadd.s32 $0xFFFFF830  }
0x3a: {  	_ =	swait.ge [sflag:s23], $0x7D0  }
0x3b: {  	[sflag:s23] =	ssyncset.done $0x0  }
0x3c: {  	s24 =	simm.s32 $0x2880;
	[sflag:s23] =	ssyncadd.s32 $0xFFFFF830  }
0x3d: {  	[spmem:s2] =	stream.indirect.scatter.add.f32 [tilespmem:s16], [sflag:$0x6], $0x10, s24, s13, $0xb8;
	[tilespmem:$0xBD60] =	vst v63  }
0x3e: {  	s25 =	simm.s32 $0x200  }
0x3f: {  	[tilespmem:s14], [sflag:$0x1] =	stream.indirect.gather [hbm4b:s4+s13], $0x10, s25, s13, $0xb8;
	[tilespmem:$0xBD60] =	vst v63  }
0x40: {  	_ =	swait.ge [sflag:s26], $0x7D0  }
0x41: {  	[sflag:s26] =	ssyncset.done $0x0  }
0x42: {  	[sflag:s26] =	ssyncadd.s32 $0xFFFFF830  }
0x43: {  	_ =	swait.ge [sflag:s28], $0x7D0  }
0x44: {  	[sflag:s28] =	ssyncset.done $0x0  }
0x45: {  	s29 =	simm.s32 $0x2900;
	[sflag:s28] =	ssyncadd.s32 $0xFFFFF830  }
0x46: {  	[spmem:s2] =	stream.indirect.scatter.add.f32 [tilespmem:s18], [sflag:$0x7], $0x10, s29, s13, $0xb8;
	[tilespmem:$0xBD60] =	vst v63  }
0x47: {  	s30 =	simm.s32 $0x280  }
0x48: {  	[tilespmem:s16], [sflag:$0x2] =	stream.indirect.gather [hbm4b:s4+s13], $0x10, s30, s13, $0xb8;
	[tilespmem:$0xBD60] =	vst v63  }
0x49: {  	_ =	swait.ge [sflag:s31], $0x7D0  }
0x4a: {  	[sflag:s31] =	ssyncset.done $0x0  }
0x4b: {  	[sflag:s31] =	ssyncadd.s32 $0xFFFFF830  }
0x4c: {  	_ =	swait.ge [sflag:s0], $0x7D0  }
0x4d: {  	[sflag:s0] =	ssyncset.done $0x0  }
0x4e: {  	[sflag:s0] =	ssyncadd.s32 $0xFFFFF830  }
0x4f: {  	[spmem:s2] =	stream.indirect.scatter.add.f32 [tilespmem:s21], [sflag:$0x8], $0x10, s1, s13, $0xb8;
	[tilespmem:$0xBD60] =	vst v63  }
0x50: {  	_ = 	snop  }
0x51: {  	[tilespmem:s18], [sflag:$0x3] =	stream.indirect.gather [hbm4b:s4+s13], $0x10, s10, s13, $0xb8;
	[tilespmem:$0xBD60] =	vst v63  }
.LBB2_4:
0x52: {  	_ =	swait.ge [sflag:s19], $0x7D0  }
0x53: {  	[sflag:s19] =	ssyncset.done $0x0  }
0x54: {  	[sflag:s19] =	ssyncadd.s32 $0xFFFFF830  }
0x55: {  	_ =	swait.ge [sflag:s15], $0x7D0  }
0x56: {  	s20 =	sshra.s32 s17, $0x2;
	[sflag:s15] =	ssyncset.done $0x0  }
0x57: {  	s24 =	sadd.s32 $0x2A00, s20;
	[sflag:s15] =	ssyncadd.s32 $0xFFFFF830  }
0x58: {  	[spmem:s2] =	stream.indirect.scatter.add.f32 [tilespmem:s14], [sflag:$0x5], $0x10, s24, s13, $0xb8;
	[tilespmem:$0xBD60] =	vst v63  }
0x59: {  	s25 =	sadd.s32 $0x380, s20  }
0x5a: {  	[tilespmem:s21], [sflag:$0x4] =	stream.indirect.gather [hbm4b:s4+s13], $0x10, s25, s13, $0xb8;
	[tilespmem:$0xBD60] =	vst v63  }
0x5b: {  	_ =	swait.ge [sflag:s22], $0x7D0  }
0x5c: {  	[sflag:s22] =	ssyncset.done $0x0  }
0x5d: {  	[sflag:s22] =	ssyncadd.s32 $0xFFFFF830  }
0x5e: {  	_ =	swait.ge [sflag:s23], $0x7D0  }
0x5f: {  	p0 =	seq.s32 s17, $0x9000;
	[sflag:s23] =	ssyncset.done $0x0  }
0x60: {  	s29 =	sadd.s32 $0x2A80, s20;
	s24 =	simm.s32 @p0 $0x3;
	[sflag:s23] =	ssyncadd.s32 $0xFFFFF830  }
0x61: {  	[spmem:s2] =	stream.indirect.scatter.add.f32 [tilespmem:s16], [sflag:$0x6], $0x10, s29, s13, $0xb8;
	[tilespmem:$0xBD60] =	vst v63  }
0x62: {  	_ =	swait.ge @p0 [sflag:s24], $0x7D0  }
0x63: {  	[sflag:s24] =	ssyncset.done @p0 $0x0  }
0x64: {  	[sflag:s24] =	ssyncadd.s32 @p0 $0xFFFFF830;
	s24 =	simm.s32 @p0 $0x6  }
0x65: {  	_ =	swait.ge @p0 [sflag:s24], $0x7D0  }
0x66: {  	[sflag:s24] =	ssyncset.done @p0 $0x0  }
0x67: {  	[sflag:s24] =	ssyncadd.s32 @p0 $0xFFFFF830;
	s24 =	sshra.s32 @p0 s17, $0x2  }
0x68: {  	s25 =	simm.s32 @p0 $0x7D;
	s29 =	simm.s32 @p0 $0x5FA0;
	s24 =	sadd.s32 @p0 $0x2B00, s24  }
0x69: {  	[spmem:s2] =	stream.indirect.scatter.add.f32 @p0 [tilespmem:s29], [sflag:$0x7], $0x10, s24, s25, $0xb8;
	[tilespmem:$0xBD60] =	vst v63  }
0x6a: {  	s24 =	sshra.s32 @!p0 s17, $0x2  }
0x6b: {  	s30 =	simm.s32 @!p0 $0x5000;
	s29 =	simm.s32 @!p0 $0x7D;
	s25 =	sadd.s32 @!p0 $0x400, s24  }
0x6c: {  	[tilespmem:s30], [sflag:$0x1] =	stream.indirect.gather @!p0 [hbm4b:s4+s29], $0x10, s25, s29, $0xb8;
	[tilespmem:$0xBD60] =	vst v63  }
0x6d: {  	s25 =	simm.s32 @!p0 $0x3  }
0x6e: {  	_ =	swait.ge @!p0 [sflag:s25], $0x7D0  }
0x6f: {  	[sflag:s25] =	ssyncset.done @!p0 $0x0  }
0x70: {  	[sflag:s25] =	ssyncadd.s32 @!p0 $0xFFFFF830;
	s25 =	simm.s32 @!p0 $0x6  }
0x71: {  	_ =	swait.ge @!p0 [sflag:s25], $0x7D0  }
0x72: {  	[sflag:s25] =	ssyncset.done @!p0 $0x0  }
0x73: {  	s30 =	simm.s32 @!p0 $0x5FA0;
	[sflag:s25] =	ssyncadd.s32 @!p0 $0xFFFFF830;
	s25 =	sadd.s32 @!p0 $0x2B00, s24  }
0x74: {  	[spmem:s2] =	stream.indirect.scatter.add.f32 @!p0 [tilespmem:s30], [sflag:$0x7], $0x10, s25, s29, $0xb8;
	[tilespmem:$0xBD60] =	vst v63  }
0x75: {  	s24 =	sadd.s32 @!p0 $0x480, s24;
	s25 =	simm.s32 @!p0 $0x57D0  }
0x76: {  	[tilespmem:s25], [sflag:$0x2] =	stream.indirect.gather @!p0 [hbm4b:s4+s29], $0x10, s24, s29, $0xb8;
	[tilespmem:$0xBD60] =	vst v63  }
0x77: {  	_ =	swait.ge [sflag:s31], $0x7D0  }
0x78: {  	[sflag:s31] =	ssyncset.done $0x0  }
.Ltmp3:
0x79: {  	[sflag:s31] =	ssyncadd.s32 $0xFFFFF830;
	(pc) =	sbr.rel @p0 .LBB2_6-.Ltmp3, $4  }
0x7a: {  	_ =	swait.ge [sflag:s0], $0x7D0  }
0x7b: {  	[sflag:s0] =	ssyncset.done $0x0  }
0x7c: {  	s30 =	sadd.s32 $0x2B80, s20;
	[sflag:s0] =	ssyncadd.s32 $0xFFFFF830  }
0x7d: {  	[spmem:s2] =	stream.indirect.scatter.add.f32 [tilespmem:s21], [sflag:$0x8], $0x10, s30, s13, $0xb8;
	[tilespmem:$0xBD60] =	vst v63  }
.Ltmp4:
0x7e: {  	(pc) =	sbr.rel .LBB2_4-.Ltmp4, $3  }
0x7f: {  	_ =	sdelay $0x1  }
0x80: {  	s20 =	sadd.s32 $0x500, s20;
	s17 =	sadd.s32 $0x800, s17  }
0x81: {  	[tilespmem:s18], [sflag:$0x3] =	stream.indirect.gather [hbm4b:s4+s13], $0x10, s20, s13, $0xb8;
	[tilespmem:$0xBD60] =	vst v63  }
.LBB2_7:
0x82: {  	_ =	sfence.sel $0x180000  }
0x83: {  	[bflag:$0x0] =	sbarrier.arrive $0xFFFF  }
0x84: {  	_ =	strace $0x9000004D  }
0x85: {  	s0 =	stileid.u32;
	[bflag:$0x2] =	sbarrier.arrive $0xFFFF  }
0x86: {  	p0 =	sne.s32 s0, $0x0;
	s0 =	rddreg [dreg:$0x2]  }
0x87: {  	s0 =	sadd.s32 @!p0 $0x100000, s0  }
0x88: {  	[sflag:s0] =	ssyncadd.tile.s32 @!p0 $0x1;
	_ =	shalt  }
.Lfunc_end2:
_tile_overlayer_lowered:
.L_overlay_start_2:
0x89: {  	(tag) =	ssettag $0x2  }
0x8a: {  	s0 =	rddreg [dreg:$0x0];
	s2 =	stileid.u32  }
0x8b: {  	s1 =	rddreg [dreg:$0x1];
	p0 =	sne.s32 s2, $0x0  }
0x8c: {  	s3 =	rddreg [dreg:$0x2];
	[bflag:$0x3] =	sbarrier.arrive $0xFFFF;
	s2 =	simm.s32 @!p0 $0x1C09  }
0x8d: {  	[timem:s3], [sflag:s2] =	dma.local @!p0 [hbm:s0], s1  }
0x8e: {  	s0 =	simm.s32 @!p0 $0x9  }
0x8f: {  	_ =	swait.ge @!p0 [sflag:s0], s1  }
0x90: {  	s1 =	ssub.s32 @!p0 $0x0, s1;
	[sflag:s0] =	ssyncset.done @!p0 $0x0  }
0x91: {  	[sflag:s0] =	ssyncadd.s32 @!p0 s1  }
0x92: {  	[bflag:$0x3] =	sbarrier.arrive $0xFFFF  }
0x93: {  	_ =	shalt  }

// kernel: kernel.8.cloned.1.call-start
scs
__scs_entry_jumppad:
0x0: {  	(pc) =	sbr.rel $0x88, $3  }
0x1: {  	(tag) =	ssettag $0x0;
	lr =	simm.s32 $0x1  }
0x2: {  	[smem:$0x3F9B] =	sst lr;
	_ =	strace $0xD0000000  }
0x3: {  	_ = 	snop  }
0x4: {  	_ = 	snop  }
0x5: {  	_ = 	snop  }
0x6: {  	_ = 	snop  }
0x7: {  	_ = 	snop  }
__scs_overlays_trampoline_lowered:
0x8: {  	[smem:$0x3FAA] =	sst s0  }
0x9: {  	[smem:$0x3FAB] =	sst s1  }
0xa: {  	[smem:$0x3FAC] =	sst s2  }
0xb: {  	[smem:$0x3FAD] =	sst s3  }
0xc: {  	[smem:$0x3FAE] =	sst s4  }
0xd: {  	[smem:$0x3FAF] =	sst s5  }
0xe: {  	[smem:$0x3FB0] =	sst s6  }
0xf: {  	[smem:$0x3FB1] =	sst s7  }
0x10: {  	[smem:$0x3FB2] =	sst s8  }
0x11: {  	[smem:$0x3FB3] =	sst s9;
	s0 =	simm.s32 @!p0 $0x0  }
0x12: {  	s1 =	sld [smem:$0x3F99];
	s0 =	simm.s32 @p0 $0x1  }
0x13: {  	[smem:$0x3FB4] =	sst s0;
	s0 =	simm.s32 @!p1 $0x0  }
0x14: {  	s2 =	sld [smem:$0x3F98];
	s0 =	simm.s32 @p1 $0x1  }
0x15: {  	[smem:$0x3FB5] =	sst s0;
	s0 =	simm.s32 @!p2 $0x0  }
0x16: {  	s3 =	sld [smem:$0x3FDB];
	s0 =	simm.s32 @p2 $0x1  }
0x17: {  	s4 =	simm.s32 $0x1BF5;
	[smem:$0x3FB7] =	sst s0  }
0x18: {  	s0 =	sld [smem:$0x3F9A];
	_ =	swait.ge [sflag:s4], $0x0  }
0x19: {  	s7 =	sld [smem:$0x3F9B]  }
0x1a: {  	s8 =	sadd.s32 $0xFFFFE003, lr  }
0x1b: {  	s9 =	sadd.s32 $0xFFFFFEF7, lr;
	s5 =	simm.s32 $0xFFFFFFFF;
	p2 =	slt.u32 s8, $0xFFFFF086  }
0x1c: {  	p1 =	slt.u32 s9, $0xF7A;
	s5 =	simm.s32 @!p2 $0x0  }
0x1d: {  	s5 =	simm.s32 @p1 $0x1;
	p0 =	seq.s32 s7, s2  }
0x1e: {  	s7 =	smul.u32 @!p0 $0xF7A, s2;
	p2 =	seq.s32 @!p0 s5, $0x0  }
0x1f: {  	s9 =	smul.u32 $0xF7A, s1;
	s8 =	simm.s32 @!p0 $0x1BF5;
	p2 =	por !p2, p0  }
0x20: {  	[sflag:s8] =	ssyncset.s32 @!p0 $0xFFFFF086;
	s6 =	sadd.s32 @!p0 s3, s7;
	s7 =	simm.s32 @!p0 $0x108  }
0x21: {  	s3 =	sadd.s32 s3, s9;
	s6 =	sadd.s32 @!p0 $0x88, s6;
	s7 =	simm.s32 @p2 $0x1082  }
0x22: {  	[simem:s7], [sflag:s8] =	dma.local @!p0 [hbm:s6], $0xF7A  }
0x23: {  	s9 =	sor.u32 $0xD0000000, s2;
	s6 =	simm.s32 $0x108;
	_ =	swait.ge @!p0 [sflag:s8], $0x0  }
0x24: {  	s3 =	sadd.s32 $0x88, s3;
	s6 =	simm.s32 @!p1 $0x1082;
	[sflag:s4] =	ssyncset.s32 $0xFFFFF086  }
0x25: {  	[simem:s6], [sflag:s4] =	dma.local [hbm:s3], $0xF7A  }
0x26: {  	[smem:$0x3F9B] =	sst s1;
	(tag) =	ssettag s2;
	_ =	strace s9  }
0x27: {  	s1 =	sld [smem:$0x3FAB]  }
0x28: {  	s2 =	sld [smem:$0x3FAC]  }
0x29: {  	s4 =	sld [smem:$0x3FAE]  }
0x2a: {  	p0 =	seq.s32 s5, $0x0;
	s5 =	sld [smem:$0x3FAF]  }
0x2b: {  	s6 =	sld [smem:$0x3FB0]  }
0x2c: {  	s7 =	sld [smem:$0x3FB1]  }
0x2d: {  	s3 =	simm.s32 $0x108;
	s8 =	sld [smem:$0x3FB2]  }
0x2e: {  	s3 =	simm.s32 @!p0 $0x1082;
	s9 =	sld [smem:$0x3FB3]  }
0x2f: {  	lr =	sadd.s32 s0, s3;
	s0 =	sld [smem:$0x3FAA]  }
0x30: {  	s3 =	sld [smem:$0x3FAD]  }
0x31: {  	[smem:$0x3FB6] =	sst s10  }
0x32: {  	s10 =	sld [smem:$0x3FB4];
	_ =	sdelay $0x3  }
0x33: {  	p0 =	seq.s32 s10, $0x1;
	s10 =	sld [smem:$0x3FB6];
	_ =	sdelay $0x3  }
0x34: {  	[smem:$0x3FB6] =	sst s10  }
0x35: {  	s10 =	sld [smem:$0x3FB5];
	_ =	sdelay $0x3  }
0x36: {  	p1 =	seq.s32 s10, $0x1;
	s10 =	sld [smem:$0x3FB6];
	_ =	sdelay $0x3  }
0x37: {  	[smem:$0x3FB6] =	sst s10  }
0x38: {  	s10 =	sld [smem:$0x3FB7]  }
0x39: {  	_ = 	snop;
	(pc) =	sbr.ind lr, $3  }
0x3a: {  	_ = 	snop  }
0x3b: {  	_ = 	snop  }
0x3c: {  	p2 =	seq.s32 s10, $0x1;
	s10 =	sld [smem:$0x3FB6]  }
0x3d: {  	_ =	shalt  }
0x3e: {  	_ =	shalt  }
0x3f: {  	_ =	shalt  }
0x40: {  	_ =	shalt  }
0x41: {  	_ =	shalt  }
0x42: {  	_ =	shalt  }
0x43: {  	_ =	shalt  }
0x44: {  	_ =	shalt  }
0x45: {  	_ =	shalt  }
0x46: {  	_ =	shalt  }
0x47: {  	_ =	shalt  }
0x48: {  	_ =	shalt  }
0x49: {  	_ =	shalt  }
0x4a: {  	_ =	shalt  }
0x4b: {  	_ =	shalt  }
0x4c: {  	_ =	shalt  }
0x4d: {  	_ =	shalt  }
0x4e: {  	_ =	shalt  }
0x4f: {  	_ =	shalt  }
0x50: {  	_ =	shalt  }
0x51: {  	_ =	shalt  }
0x52: {  	_ =	shalt  }
0x53: {  	_ =	shalt  }
0x54: {  	_ =	shalt  }
0x55: {  	_ =	shalt  }
0x56: {  	_ =	shalt  }
0x57: {  	_ =	shalt  }
0x58: {  	_ =	shalt  }
0x59: {  	_ =	shalt  }
0x5a: {  	_ =	shalt  }
0x5b: {  	_ =	shalt  }
0x5c: {  	_ =	shalt  }
0x5d: {  	_ =	shalt  }
0x5e: {  	_ =	shalt  }
0x5f: {  	_ =	shalt  }
0x60: {  	_ =	shalt  }
0x61: {  	_ =	shalt  }
0x62: {  	_ =	shalt  }
0x63: {  	_ =	shalt  }
0x64: {  	_ =	shalt  }
0x65: {  	_ =	shalt  }
0x66: {  	_ =	shalt  }
0x67: {  	_ =	shalt  }
0x68: {  	_ =	shalt  }
0x69: {  	_ =	shalt  }
0x6a: {  	_ =	shalt  }
0x6b: {  	_ =	shalt  }
0x6c: {  	_ =	shalt  }
0x6d: {  	_ =	shalt  }
0x6e: {  	_ =	shalt  }
0x6f: {  	_ =	shalt  }
0x70: {  	_ =	shalt  }
0x71: {  	_ =	shalt  }
0x72: {  	_ =	shalt  }
0x73: {  	_ =	shalt  }
0x74: {  	_ =	shalt  }
0x75: {  	_ =	shalt  }
0x76: {  	_ =	shalt  }
0x77: {  	_ =	shalt  }
0x78: {  	_ =	shalt  }
0x79: {  	_ =	shalt  }
0x7a: {  	_ =	shalt  }
0x7b: {  	_ =	shalt  }
0x7c: {  	_ =	shalt  }
0x7d: {  	_ =	shalt  }
0x7e: {  	_ =	shalt  }
0x7f: {  	_ =	shalt  }
0x80: {  	_ =	shalt  }
0x81: {  	_ =	shalt  }
0x82: {  	_ =	shalt  }
0x83: {  	_ =	shalt  }
0x84: {  	_ =	shalt  }
0x85: {  	_ =	shalt  }
0x86: {  	_ =	shalt  }
0x87: {  	_ =	shalt  }
.Lfunc_end0:
.L_simem_size_0:
called_computation_lowered:
.L_overlay_start_0:
0x88: {  	s2 =	sld [smem:$0x3FD9]  }
0x89: {  	s3 =	sld [smem:$0x3FFE];
	_ =	sdelay $0x1  }
0x8a: {  	s1 =	srdreg.scid  }
0x8b: {  	s0 =	sand.u32 $0x1, s1  }
0x8c: {  	s16 =	sshll.u32 s0, $0xA;
	s2 =	sadd.s32 s3, s2  }
0x8d: {  	s2 =	sadd.s32 s2, s16  }
0x8e: {  	[smem:$0x3FC2] =	sst s2  }
0x8f: {  	_ = 	snop  }
0x90: {  	(tm) =	ssettm $0x1  }
0x91: {  	s17 =	sld [smem:$0x3FFB];
	_ =	sdelay $0x3  }
0x92: {  	_ =	strace s17  }
0x93: {  	s2 =	sld [smem:$0x3FFC];
	_ =	sdelay $0x3  }
0x94: {  	_ =	strace s2  }
0x95: {  	s2 =	sld [smem:$0x3FFD];
	_ =	sdelay $0x3  }
0x96: {  	_ =	strace s2  }
0x97: {  	_ =	strace $0x8FFFFFFF  }
0x98: {  	s18 =	sld [smem:$0x3FDB];
	_ =	sdelay $0x1  }
0x99: {  	s19 =	simm.s32 $_scs_section_size  }
0x9a: {  	s4 =	simm.s32 $_size__tile_overlayer_lowered;
	s5 =	simm.s32 $_tile_overlayer_lowered  }
0x9b: {  	s22 =	simm.s32 $0x1BFF;
	s21 =	sshll.u32 s5, $0x1;
	s2 =	sadd.s32 s19, s18  }
0x9c: {  	s6 =	simm.s32 $0x0;
	s20 =	sshll.u32 s4, $0x1;
	s4 =	sadd.s32 s21, s2  }
0x9d: {  	[timem:s6], [sflag:s22] =	dma.local [hbm:s4], s20  }
0x9e: {  	_ =	swait.ge [sflag:s22], s20  }
0x9f: {  	s3 =	ssub.s32 $0x0, s20;
	[sflag:s22] =	ssyncset.done $0x0  }
0xa0: {  	[sflag:s22] =	ssyncadd.s32 s3;
	_ =	sdelay $0x1  }
0xa1: {  	s23 =	simm.s32 $0x1B8B  }
0xa2: {  	_ =	swait.ge [sflag:s23], $0x1  }
0xa3: {  	[sflag:s23] =	ssyncset.done $0x0  }
0xa4: {  	s25 =	simm.s32 $0x1B8E;
	s24 =	sld [smem:$0x3FFE];
	[sflag:s23] =	ssyncadd.s32 $0xFFFFFFFF  }
0xa5: {  	s26 =	simm.s32 $execute0_lowered;
	[smem:$0x3FD2] =	sst s25  }
0xa6: {  	s4 =	sshll.u32 s26, $0x1;
	_ =	strace $0x80000046;
	[dreg:$0x1] =	wrdreg $0xFFFFFFFF  }
0xa7: {  	s28 =	simm.s32 $_size_execute0_lowered;
	s2 =	sadd.s32 s2, s4;
	[dreg:$0x0] =	wrdreg $0x0  }
0xa8: {  	s4 =	sshll.u32 s28, $0x1;
	[dreg:$0x2] =	wrdreg s2  }
0xa9: {  	[dreg:$0x3] =	wrdreg s4  }
0xaa: {  	[dreg:$0x4] =	wrdreg $0xC0  }
0xab: {  	_ =	task [dreg:s6], $0x5FFFF  }
0xac: {  	[dreg:$0x1] =	wrdreg $0xFFFFFFFF  }
0xad: {  	[dreg:$0x0] =	wrdreg $0x60  }
0xae: {  	[dreg:$0x2] =	wrdreg s24  }
0xaf: {  	[dreg:$0x3] =	wrdreg $0x56E00  }
0xb0: {  	[dreg:$0x4] =	wrdreg $0x9  }
0xb1: {  	_ =	task.clear_ibuf [dreg:s6], $0x5FFFF;
	_ =	strace $0x90000046  }
0xb2: {  	s29 =	simm.s32 $0x9;
	_ =	strace $0x80000048  }
0xb3: {  	_ =	swait.ge [sflag:s29], $0x1  }
0xb4: {  	[sflag:s29] =	ssyncadd.s32 $0xFFFFFFFF  }
0xb5: {  	_ =	strace $0x90000048  }
0xb6: {  	_ =	sfence  }
0xb7: {  	s30 =	sld [smem:$0x0];
	_ =	sdelay $0x2  }
0xb8: {  	s31 =	sshll.u32 s1, $0xD;
	s1 =	sshrl.u32 s1, $0x2  }
0xb9: {  	s3 =	sand.u32 $0x4000, s31;
	s1 =	sadd.s32 s1, s30  }
0xba: {  	s0 =	sor.u32 s3, s0;
	s1 =	sshll.u32 s1, $0x11  }
0xbb: {  	s0 =	sor.u32 s1, s0  }
0xbc: {  	s0 =	sadd.s32 $0x8F2B, s0  }
0xbd: {  	[sflag:s0] =	ssyncadd.remote.s32 $0x1  }
0xbe: {  	_ =	sfence.sel $0xFFFF  }
0xbf: {  	[dreg:$0x0] =	wrdreg $0xFFFFFFFF;
	(pc) =	sbr.abs _section_cstart, $3  }
0xc0: {  	[dreg:$0x1] =	wrdreg $0xFFFFFFFF  }
0xc1: {  	_ =	task.clear_ibuf [dreg:s6], $0x2FFFF;
	_ =	strace $0x9FFFFFFF  }
0xc2: {  	(tm) =	ssettm $0x7FFFFFFF  }
0xc3: {  	_ =	shalt  }
tec
execute0_lowered:
.L_overlay_start_1:
0x0: {  	(tag) =	ssettag $0x1  }
0x1: {  	s1 =	srdreg.scid;
	s4 =	rddreg [dreg:$0x0]  }
0x2: {  	s0 =	stileid.u32;
	s2 =	rddreg [dreg:$0x1];
	s3 =	simm.s32 $0x0  }
0x3: {  	s10 =	simm.s32 $0x7D;
	s5 =	sand.u32 $0x1, s1;
	s1 =	rddreg [dreg:$0x2]  }
0x4: {  	s11 =	simm.s32 $0x2800;
	s6 =	smul.u32 $0x2710, s0;
	[smem:$0x7FF] =	sst s3  }
0x5: {  	s12 =	sshll.u32 s0, $0x6;
	s7 =	sshll.u32 s5, $0x4;
	s8 =	smul.u32 $0x27100, s5  }
0x6: {  	_ =	strace $0x80000047;
	s5 =	ssub.s32 $0x2, s5;
	s7 =	sor.u32 s0, s7  }
0x7: {  	s31 =	sshrl.u32 s5, $0x1;
	s7 =	smul.u32 $0x500, s7;
	s8 =	sadd.s32 s6, s8  }
0x8: {  	s12 =	sor.u32 $0x1C01, s12;
	s9 =	ssub.s32 s5, s31;
	s8 =	sshrl.u32 s8, $0x3  }
0x9: {  	s7 =	sadd.s32 s7, s4;
	s8 =	sadd.s32 s8, s4;
	s4 =	sadd.s32 s6, s2  }
0xa: {  	s5 =	sadd.s32 $0x1600, s7;
	s6 =	sadd.s32 $0xB600, s8;
	s7 =	smax.u32 s9, $0x1  }
0xb: {  	v0 =	vimm.f32 $0.0e+00;
	v1 =	vimm.f32 $1.000000000e+00;
	s8 =	simm.s32 $0x2FD0;
	s9 =	simm.s32 $0x1;
	s13 =	sshrl.u32 s4, $0x3  }
.LBB2_1:
0xc: {  	s14 =	simm.s32 $0x0  }
.LBB2_2:
0xd: {  	p0 =	sne.s32 s14, $0x9C00  }
.Ltmp0:
0xe: {  	_ = 	snop;
	(pc) =	sbr.rel @p0 .LBB2_2-.Ltmp0, $3  }
0xf: {  	_ =	sdelay $0x1  }
0x10: {  	s15 =	sshra.s32 s14, $0x2  }
0x11: {  	s14 =	sadd.s32 $0x40, s14;
	[tilespmem:s15+$0x2FD0] =	vst v0  }
0x12: {  	s14 =	simm.s32 $0x40;
	s15 =	simm.s32 $0x0  }
.LBB2_4:
0x13: {  	p0 =	sne.s32 s14, $0x1F00;
	[tilespmem:s15+$0x2800] =	vst v1;
	s15 =	smov.u32 s14;
	s14 =	sadd.s32 $0x40, s14  }
.Ltmp1:
0x14: {  	(pc) =	sbr.rel @p0 .LBB2_4-.Ltmp1, $2  }
0x15: {  	_ =	sdelay $0x2  }
0x16: {  	s15 =	sshra.s32 s15, $0x2  }
0x17: {  	[tilespmem:s15+$0x2800] =	vst v1  }
0x18: {  	[spmem:s4] =	stream.linear.scatter [tilespmem:s8], [sflag:$0x1], $0x2710, $0x38;
	[tilespmem:$0x7DF0] =	vst v63  }
0x19: {  	_ =	swait.ge [sflag:s9], $0x2710  }
0x1a: {  	[sflag:s9] =	ssyncset.done $0x0  }
0x1b: {  	s14 =	simm.s32 $0x0;
	[sflag:s9] =	ssyncadd.s32 $0xFFFFD8F0  }
0x1c: {  	[tilespmem:s14], [sflag:$0x1] =	stream.linear.gather [hbm4b:s5+s14], $0x2800, $0x38;
	[tilespmem:$0x7DF0] =	vst v63  }
0x1d: {  	_ =	swait.ge [sflag:s9], $0x2800  }
0x1e: {  	[sflag:s9] =	ssyncset.done $0x0  }
0x1f: {  	[sflag:s9] =	ssyncadd.s32 $0xFFFFD800  }
0x20: {  	s31 =	simm.s32 $0x0;
	[bflag:$0x0] =	sbarrier.arrive $0xFFFF  }
0x21: {  	[spmem:s2] =	stream.indirect.scatter.add.f32 [tilespmem:s11], [sflag:$0x1], $0x10, s31, s10, $0xb8;
	[tilespmem:$0x7DF0] =	vst v63  }
0x22: {  	_ =	swait.ge [sflag:s9], $0x7D0  }
0x23: {  	s14 =	simm.s32 $0x200;
	[sflag:s9] =	ssyncset.done $0x0  }
.LBB2_6:
0x24: {  	s15 =	sshra.s32 s14, $0x2;
	[sflag:s9] =	ssyncadd.s32 $0xFFFFF830;
	p0 =	sne.s32 s14, $0x9E00  }
0x25: {  	[spmem:s2] =	stream.indirect.scatter.add.f32 [tilespmem:s11], [sflag:$0x1], $0x10, s15, s10, $0xb8;
	[tilespmem:$0x7DF0] =	vst v63  }
.Ltmp2:
0x26: {  	_ = 	snop;
	(pc) =	sbr.rel @p0 .LBB2_6-.Ltmp2, $4  }
0x27: {  	_ = 	snop  }
0x28: {  	s14 =	sadd.s32 $0x200, s14  }
0x29: {  	_ =	swait.ge [sflag:s9], $0x7D0  }
0x2a: {  	[sflag:s9] =	ssyncset.done $0x0  }
0x2b: {  	s3 =	sadd.s32 $0x1, s3  }
0x2c: {  	[sflag:s9] =	ssyncadd.s32 $0xFFFFF830;
	p0 =	sne.s32 s3, s7  }
.Ltmp3:
0x2d: {  	[bflag:$0x0] =	sbarrier.arrive $0xFFFF;
	(pc) =	sbr.rel @p0 .LBB2_1-.Ltmp3, $4  }
0x2e: {  	[hbm:s6], [sflag:s12] =	dma.local [spmem:s13], $0x4E2  }
0x2f: {  	_ =	swait.ge [sflag:s9], $0x4E2  }
0x30: {  	[sflag:s9] =	ssyncset.done $0x0  }
0x31: {  	[sflag:s9] =	ssyncadd.s32 $0xFFFFFB1E  }
0x32: {  	_ =	sfence.sel $0x180000  }
0x33: {  	[bflag:$0x0] =	sbarrier.arrive $0xFFFF  }
0x34: {  	p0 =	sne.s32 s0, $0x0;
	_ =	strace $0x90000047  }
0x35: {  	s0 =	sadd.s32 @!p0 $0x100000, s1;
	[bflag:$0x2] =	sbarrier.arrive $0xFFFF  }
0x36: {  	[sflag:s0] =	ssyncadd.tile.s32 @!p0 $0x1;
	_ =	shalt  }
.Lfunc_end2:
_tile_overlayer_lowered:
.L_overlay_start_2:
0x37: {  	(tag) =	ssettag $0x2  }
0x38: {  	s0 =	rddreg [dreg:$0x0];
	s2 =	stileid.u32  }
0x39: {  	s1 =	rddreg [dreg:$0x1];
	p0 =	sne.s32 s2, $0x0  }
0x3a: {  	s3 =	rddreg [dreg:$0x2];
	[bflag:$0x3] =	sbarrier.arrive $0xFFFF;
	s2 =	simm.s32 @!p0 $0x1C01  }
0x3b: {  	[timem:s3], [sflag:s2] =	dma.local @!p0 [hbm:s0], s1  }
0x3c: {  	s0 =	simm.s32 @!p0 $0x1  }
0x3d: {  	_ =	swait.ge @!p0 [sflag:s0], s1  }
0x3e: {  	s1 =	ssub.s32 @!p0 $0x0, s1;
	[sflag:s0] =	ssyncset.done @!p0 $0x0  }
0x3f: {  	[sflag:s0] =	ssyncadd.s32 @!p0 s1  }
0x40: {  	[bflag:$0x3] =	sbarrier.arrive $0xFFFF  }
0x41: {  	_ =	shalt  }

</sc_bundles>
